<compile_context>
chip_gen: v7x
topology: tpu7x:2x2x1
jax: 0.10.2.dev20260603
libtpu: 0.0.44.dev20260713+nightly
codegen_flags: <defaults>
</compile_context>

<pallas_src>
import functools

import jax
import jax.numpy as jnp
from jax import lax
from jax.experimental import pallas as pl
from jax.experimental.pallas import tpu as pltpu
from jax.experimental.pallas import tpu_sc as plsc

B = 16384
D = 64
DP = 128
OUT = 128
V = 1000000
PBLK = 1024
SUB = 32
TBLK = PBLK * SUB
NTB = (V + TBLK - 1) // TBLK
PR = NTB * (TBLK // 4)
NC = 2
NS = 16
NW = NC * NS
BPW = B // NW
CHUNK = 128
NCHUNK = BPW // CHUNK
BLK = 2048


def _pack_body(tt_ref, eye_ref, o_ref):
    blk = tt_ref[...]
    eye = eye_ref[...]
    dn = (((0,), (0,)), ((), ()))
    blk16 = blk.astype(jnp.bfloat16)
    eye16 = eye.astype(jnp.bfloat16)
    for s in range(SUB):
        sub = blk16[:, s * PBLK : (s + 1) * PBLK]
        t = lax.dot_general(sub, eye16, dn,
                            preferred_element_type=jnp.float32)
        bits = lax.bitcast_convert_type(t, jnp.int32)
        hi = bits >> 16
        QR = PBLK // 4
        r0 = s * QR
        pk_lo = (hi[:QR] & 0xFFFF) | (hi[QR : 2 * QR] << 16)
        pk_hi = (hi[2 * QR : 3 * QR] & 0xFFFF) | (hi[3 * QR :] << 16)
        o_ref[pl.ds(r0, QR), :D] = lax.bitcast_convert_type(pk_lo, jnp.float32)
        o_ref[pl.ds(r0, QR), D:] = lax.bitcast_convert_type(pk_hi, jnp.float32)


def _tc_pack(tableT, eye):
    return pl.pallas_call(
        _pack_body,
        grid=(NTB,),
        in_specs=[
            pl.BlockSpec((D, TBLK), lambda j: (0, j)),
            pl.BlockSpec((D, D), lambda j: (0, 0)),
        ],
        out_specs=pl.BlockSpec((TBLK // 4, DP), lambda j: (j, 0)),
        out_shape=jax.ShapeDtypeStruct((PR, DP), jnp.float32),
    )(tableT, eye)


def _sc_gather(idx2d, packed):
    mesh = plsc.VectorSubcoreMesh(core_axis_name="c", subcore_axis_name="s")

    @functools.partial(
        pl.kernel,
        mesh=mesh,
        out_type=jax.ShapeDtypeStruct((B, DP), jnp.float32),
        scratch_types=[
            pltpu.VMEM((NCHUNK, CHUNK), jnp.int32),
            pltpu.VMEM((BPW, DP), jnp.float32),
            pltpu.SemaphoreType.DMA,
        ],
    )
    def k(idx_hbm, table_hbm, out_hbm, idx_v, rows_v, sem):
        wid = lax.axis_index("s") * NC + lax.axis_index("c")
        pltpu.sync_copy(idx_hbm.at[pl.ds(wid * NCHUNK, NCHUNK)], idx_v)
        copies = []
        for j in range(NCHUNK):
            copies.append(
                pltpu.async_copy(
                    table_hbm.at[idx_v.at[j]],
                    rows_v.at[pl.ds(j * CHUNK, CHUNK)],
                    sem,
                )
            )
        for c in copies:
            c.wait()
        pltpu.sync_copy(rows_v, out_hbm.at[pl.ds(wid * BPW, BPW)])

    return k(idx2d, packed)


def _mm_body(e_ref, q_ref, w2_ref, b_ref, o_ref):
    bits = lax.bitcast_convert_type(e_ref[...], jnp.int32)
    e_lo = lax.bitcast_convert_type(bits << 16, jnp.float32)
    e_hi = lax.bitcast_convert_type(
        bits & jnp.int32(-65536), jnp.float32
    )
    q = q_ref[...].astype(jnp.int32)
    e_sel = jnp.where((q & 1) == 1, e_hi, e_lo)
    lane = lax.broadcasted_iota(jnp.int32, (BLK, DP), 1)
    keep = (lane >= D) == (q >= 2)
    e_m = jnp.where(keep, e_sel, 0.0)
    o_ref[...] = (
        lax.dot_general(
            e_m, w2_ref[...],
            (((1,), (0,)), ((), ())),
            preferred_element_type=jnp.float32,
        )
        + b_ref[...]
    )


def _tc_linear(e2, q, w2, fc_b2d):
    return pl.pallas_call(
        _mm_body,
        grid=(B // BLK,),
        in_specs=[
            pl.BlockSpec((BLK, DP), lambda i: (i, 0)),
            pl.BlockSpec((BLK, DP), lambda i: (i, 0)),
            pl.BlockSpec((DP, OUT), lambda i: (0, 0)),
            pl.BlockSpec((1, OUT), lambda i: (0, 0)),
        ],
        out_specs=pl.BlockSpec((BLK, OUT), lambda i: (i, 0)),
        out_shape=jax.ShapeDtypeStruct((B, OUT), jnp.float32),
    )(e2, q, w2, fc_b2d)


def kernel(_x, x, emb_table, fc_w, fc_b):
    xi = x.astype(jnp.int32)
    u_idx = ((xi >> 10) * (PBLK // 4) + (xi & (PBLK // 4 - 1))).reshape(
        NW * NCHUNK, CHUNK
    )
    q = jnp.broadcast_to(
        ((xi >> 8) & 3).astype(jnp.int8).reshape(B, 1), (B, DP)
    )
    eye = jnp.eye(D, dtype=jnp.float32)
    packed = _tc_pack(emb_table.T, eye)
    e2 = _sc_gather(u_idx, packed)
    w2 = jnp.concatenate([fc_w.T, fc_w.T], axis=0)
    return _tc_linear(e2, q, w2, fc_b.reshape(1, OUT))

# --- scband reference (transcript-rebuilt; emitter-appended) ---
"""Pipeline reference for scband-pass-through-model-2594160247167 (READ-ONLY COPY).

The authoritative reference and input builder live on the scoring server;
editing this copy changes nothing except your own understanding.
"""

import jax, jax.numpy as jnp
import numpy as np

INPUT_DIM = 1000000
EMBED_DIM = 64
OUTPUT_DIM = 128
BATCH = 16384

def setup_inputs(seed: int = 0) -> dict:
    key = jax.random.key(seed)
    k1, k2, k3, k4, k5 = jax.random.split(key, 5)
    _x = jax.random.normal(k1, (BATCH, 1), dtype=jnp.float32)
    x = jax.random.randint(k2, (BATCH,), 0, INPUT_DIM, dtype=jnp.int64)
    emb_table = jax.random.normal(k3, (INPUT_DIM, EMBED_DIM), dtype=jnp.float32) * 0.02
    fc_w = jax.random.normal(k4, (OUTPUT_DIM, EMBED_DIM), dtype=jnp.float32) * (1.0 / np.sqrt(EMBED_DIM))
    fc_b = jax.random.normal(k5, (OUTPUT_DIM,), dtype=jnp.float32) * 0.01
    return {"_x": _x, "x": x, "emb_table": emb_table, "fc_w": fc_w, "fc_b": fc_b}

def reference(_x, x, emb_table, fc_w, fc_b):
    # x = self.embedding(x.long())
    e = jnp.take(emb_table, x, axis=0)  # [B, EMBED_DIM]
    # x = x.view(x.size(0), -1)
    e = e.reshape(e.shape[0], -1)
    # x = self.fc(x)
    out = e @ fc_w.T + fc_b
    return out

if __name__ == "__main__":
    import jax
    _d = setup_inputs()
    print(jax.jit(kernel)(*tuple(_d.values())))

</pallas_src>

<mosaic_0001>
#map = affine_map<(d0, d1) -> (0, 0)>
module attributes {stable_mosaic.version = 14 : i64} {
  func.func @k(%arg0: i32, %arg1: i32, %arg2: memref<128x128xi32, #tpu.memory_space<hbm>>, %arg3: memref<253952x128xf32, #tpu.memory_space<hbm>>, %arg4: memref<16384x128xf32, #tpu.memory_space<hbm>>, %arg5: memref<4x128xi32, #tpu.memory_space<vmem>>, %arg6: memref<512x128xf32, #tpu.memory_space<vmem>>, %arg7: memref<!tpu.dma_semaphore, #tpu.memory_space<semaphore_mem>>) attributes {dimension_semantics = [#tpu.dimension_semantics<core_parallel>, #tpu.dimension_semantics<subcore_parallel>], iteration_bounds = array<i64: 2, 16>, scalar_prefetch = 0 : i64, scratch_operands = 3 : i64, tpu.core_type = #tpu.core_type<sc_vector_subcore>, window_params = [{transform_indices = #map}, {transform_indices = #map}, {transform_indices = #map}]} {
    %mul3A = arith.constant 2 : i32
    %mul3A_0 = arith.muli %arg1, %mul3A : i32
    %add3A = arith.addi %mul3A_0, %arg0 : i32
    %mul3A_1 = arith.constant 4 : i32
    %mul3A_2 = arith.muli %add3A, %mul3A_1 : i32
    "tpu.region"() ({
      %run_scoped3A = tpu.sem_alloc : memref<!tpu.dma_semaphore, #tpu.memory_space<semaphore_mem>>
      %dma_start3A_83 = arith.constant 0 : i32
      %dma_start3A_84 = tpu.memref_slice %arg2[%mul3A_2, %dma_start3A_83] : memref<128x128xi32, #tpu.memory_space<hbm>> -> memref<4x128xi32, #tpu.memory_space<hbm>>
      %dma_start3A_85 = arith.constant 0 : i32
      %dma_start3A_86 = tpu.memref_slice %arg2[%mul3A_2, %dma_start3A_85] : memref<128x128xi32, #tpu.memory_space<hbm>> -> memref<4x128xi32, #tpu.memory_space<hbm>>
      tpu.enqueue_dma source(%dma_start3A_86 : memref<4x128xi32, #tpu.memory_space<hbm>>) target(%arg5 : memref<4x128xi32, #tpu.memory_space<vmem>>) target_semaphore(%run_scoped3A : memref<!tpu.dma_semaphore, #tpu.memory_space<semaphore_mem>>)
      %dma_wait3A_87 = arith.constant 0 : i32
      %dma_wait3A_88 = tpu.memref_slice %arg2[%mul3A_2, %dma_wait3A_87] : memref<128x128xi32, #tpu.memory_space<hbm>> -> memref<4x128xi32, #tpu.memory_space<hbm>>
      %dma_wait3A_89 = arith.constant 0 : i32
      %dma_wait3A_90 = tpu.memref_slice %arg2[%mul3A_2, %dma_wait3A_89] : memref<128x128xi32, #tpu.memory_space<hbm>> -> memref<4x128xi32, #tpu.memory_space<hbm>>
      tpu.wait_dma2 semaphore(%run_scoped3A : memref<!tpu.dma_semaphore, #tpu.memory_space<semaphore_mem>>) src(%dma_wait3A_90 : memref<4x128xi32, #tpu.memory_space<hbm>>) dst(%arg5 : memref<4x128xi32, #tpu.memory_space<vmem>>)
      tpu.yield
    }) : () -> ()
    %dma_start3A = arith.constant 0 : i32
    %dma_start3A_3 = arith.constant 0 : i32
    %dma_start3A_4 = arith.constant 0 : i32
    %dma_start3A_5 = tpu.memref_slice %arg6[%dma_start3A_3, %dma_start3A_4] : memref<512x128xf32, #tpu.memory_space<vmem>> -> memref<128x128xf32, #tpu.memory_space<vmem>>
    %dma_start3A_6 = arith.constant 0 : i32
    %dma_start3A_7 = tpu.memref_slice %arg5[%dma_start3A, %dma_start3A_6] : memref<4x128xi32, #tpu.memory_space<vmem>> -> memref<1x128xi32, #tpu.memory_space<vmem>>
    %dma_start3A_8 = tpu.memref_squeeze %dma_start3A_7 : memref<1x128xi32, #tpu.memory_space<vmem>> -> memref<128xi32, #tpu.memory_space<vmem>>
    %dma_start3A_9 = arith.constant 0 : i32
    %dma_start3A_10 = arith.constant 0 : i32
    %dma_start3A_11 = tpu.memref_slice %arg3[%dma_start3A_9, %dma_start3A_10] : memref<253952x128xf32, #tpu.memory_space<hbm>> -> memref<253952x128xf32, #tpu.memory_space<hbm>>
    tpu.enqueue_indirect_dma source(%dma_start3A_11 : memref<253952x128xf32, #tpu.memory_space<hbm>>) target(%dma_start3A_5 : memref<128x128xf32, #tpu.memory_space<vmem>>) offsets(%dma_start3A_8 : memref<128xi32, #tpu.memory_space<vmem>>) semaphore(%arg7 : memref<!tpu.dma_semaphore, #tpu.memory_space<semaphore_mem>>)
    %dma_start3A_12 = arith.constant 1 : i32
    %dma_start3A_13 = arith.constant 128 : i32
    %dma_start3A_14 = arith.constant 0 : i32
    %dma_start3A_15 = tpu.memref_slice %arg6[%dma_start3A_13, %dma_start3A_14] : memref<512x128xf32, #tpu.memory_space<vmem>> -> memref<128x128xf32, #tpu.memory_space<vmem>>
    %dma_start3A_16 = arith.constant 0 : i32
    %dma_start3A_17 = tpu.memref_slice %arg5[%dma_start3A_12, %dma_start3A_16] : memref<4x128xi32, #tpu.memory_space<vmem>> -> memref<1x128xi32, #tpu.memory_space<vmem>>
    %dma_start3A_18 = tpu.memref_squeeze %dma_start3A_17 : memref<1x128xi32, #tpu.memory_space<vmem>> -> memref<128xi32, #tpu.memory_space<vmem>>
    %dma_start3A_19 = arith.constant 0 : i32
    %dma_start3A_20 = arith.constant 0 : i32
    %dma_start3A_21 = tpu.memref_slice %arg3[%dma_start3A_19, %dma_start3A_20] : memref<253952x128xf32, #tpu.memory_space<hbm>> -> memref<253952x128xf32, #tpu.memory_space<hbm>>
    tpu.enqueue_indirect_dma source(%dma_start3A_21 : memref<253952x128xf32, #tpu.memory_space<hbm>>) target(%dma_start3A_15 : memref<128x128xf32, #tpu.memory_space<vmem>>) offsets(%dma_start3A_18 : memref<128xi32, #tpu.memory_space<vmem>>) semaphore(%arg7 : memref<!tpu.dma_semaphore, #tpu.memory_space<semaphore_mem>>)
    %dma_start3A_22 = arith.constant 2 : i32
    %dma_start3A_23 = arith.constant 256 : i32
    %dma_start3A_24 = arith.constant 0 : i32
    %dma_start3A_25 = tpu.memref_slice %arg6[%dma_start3A_23, %dma_start3A_24] : memref<512x128xf32, #tpu.memory_space<vmem>> -> memref<128x128xf32, #tpu.memory_space<vmem>>
    %dma_start3A_26 = arith.constant 0 : i32
    %dma_start3A_27 = tpu.memref_slice %arg5[%dma_start3A_22, %dma_start3A_26] : memref<4x128xi32, #tpu.memory_space<vmem>> -> memref<1x128xi32, #tpu.memory_space<vmem>>
    %dma_start3A_28 = tpu.memref_squeeze %dma_start3A_27 : memref<1x128xi32, #tpu.memory_space<vmem>> -> memref<128xi32, #tpu.memory_space<vmem>>
    %dma_start3A_29 = arith.constant 0 : i32
    %dma_start3A_30 = arith.constant 0 : i32
    %dma_start3A_31 = tpu.memref_slice %arg3[%dma_start3A_29, %dma_start3A_30] : memref<253952x128xf32, #tpu.memory_space<hbm>> -> memref<253952x128xf32, #tpu.memory_space<hbm>>
    tpu.enqueue_indirect_dma source(%dma_start3A_31 : memref<253952x128xf32, #tpu.memory_space<hbm>>) target(%dma_start3A_25 : memref<128x128xf32, #tpu.memory_space<vmem>>) offsets(%dma_start3A_28 : memref<128xi32, #tpu.memory_space<vmem>>) semaphore(%arg7 : memref<!tpu.dma_semaphore, #tpu.memory_space<semaphore_mem>>)
    %dma_start3A_32 = arith.constant 3 : i32
    %dma_start3A_33 = arith.constant 384 : i32
    %dma_start3A_34 = arith.constant 0 : i32
    %dma_start3A_35 = tpu.memref_slice %arg6[%dma_start3A_33, %dma_start3A_34] : memref<512x128xf32, #tpu.memory_space<vmem>> -> memref<128x128xf32, #tpu.memory_space<vmem>>
    %dma_start3A_36 = arith.constant 0 : i32
    %dma_start3A_37 = tpu.memref_slice %arg5[%dma_start3A_32, %dma_start3A_36] : memref<4x128xi32, #tpu.memory_space<vmem>> -> memref<1x128xi32, #tpu.memory_space<vmem>>
    %dma_start3A_38 = tpu.memref_squeeze %dma_start3A_37 : memref<1x128xi32, #tpu.memory_space<vmem>> -> memref<128xi32, #tpu.memory_space<vmem>>
    %dma_start3A_39 = arith.constant 0 : i32
    %dma_start3A_40 = arith.constant 0 : i32
    %dma_start3A_41 = tpu.memref_slice %arg3[%dma_start3A_39, %dma_start3A_40] : memref<253952x128xf32, #tpu.memory_space<hbm>> -> memref<253952x128xf32, #tpu.memory_space<hbm>>
    tpu.enqueue_indirect_dma source(%dma_start3A_41 : memref<253952x128xf32, #tpu.memory_space<hbm>>) target(%dma_start3A_35 : memref<128x128xf32, #tpu.memory_space<vmem>>) offsets(%dma_start3A_38 : memref<128xi32, #tpu.memory_space<vmem>>) semaphore(%arg7 : memref<!tpu.dma_semaphore, #tpu.memory_space<semaphore_mem>>)
    %dma_wait3A = arith.constant 0 : i32
    %dma_wait3A_42 = arith.constant 0 : i32
    %dma_wait3A_43 = arith.constant 0 : i32
    %dma_wait3A_44 = tpu.memref_slice %arg6[%dma_wait3A_42, %dma_wait3A_43] : memref<512x128xf32, #tpu.memory_space<vmem>> -> memref<128x128xf32, #tpu.memory_space<vmem>>
    %dma_wait3A_45 = arith.constant 0 : i32
    %dma_wait3A_46 = tpu.memref_slice %arg5[%dma_wait3A, %dma_wait3A_45] : memref<4x128xi32, #tpu.memory_space<vmem>> -> memref<1x128xi32, #tpu.memory_space<vmem>>
    %dma_wait3A_47 = tpu.memref_squeeze %dma_wait3A_46 : memref<1x128xi32, #tpu.memory_space<vmem>> -> memref<128xi32, #tpu.memory_space<vmem>>
    %dma_wait3A_48 = arith.constant 0 : i32
    %dma_wait3A_49 = arith.constant 0 : i32
    %dma_wait3A_50 = tpu.memref_slice %arg3[%dma_wait3A_48, %dma_wait3A_49] : memref<253952x128xf32, #tpu.memory_space<hbm>> -> memref<253952x128xf32, #tpu.memory_space<hbm>>
    tpu.wait_indirect_dma semaphore(%arg7 : memref<!tpu.dma_semaphore, #tpu.memory_space<semaphore_mem>>) src(%dma_wait3A_50 : memref<253952x128xf32, #tpu.memory_space<hbm>>) dst(%dma_wait3A_44 : memref<128x128xf32, #tpu.memory_space<vmem>>)
    %dma_wait3A_51 = arith.constant 1 : i32
    %dma_wait3A_52 = arith.constant 128 : i32
    %dma_wait3A_53 = arith.constant 0 : i32
    %dma_wait3A_54 = tpu.memref_slice %arg6[%dma_wait3A_52, %dma_wait3A_53] : memref<512x128xf32, #tpu.memory_space<vmem>> -> memref<128x128xf32, #tpu.memory_space<vmem>>
    %dma_wait3A_55 = arith.constant 0 : i32
    %dma_wait3A_56 = tpu.memref_slice %arg5[%dma_wait3A_51, %dma_wait3A_55] : memref<4x128xi32, #tpu.memory_space<vmem>> -> memref<1x128xi32, #tpu.memory_space<vmem>>
    %dma_wait3A_57 = tpu.memref_squeeze %dma_wait3A_56 : memref<1x128xi32, #tpu.memory_space<vmem>> -> memref<128xi32, #tpu.memory_space<vmem>>
    %dma_wait3A_58 = arith.constant 0 : i32
    %dma_wait3A_59 = arith.constant 0 : i32
    %dma_wait3A_60 = tpu.memref_slice %arg3[%dma_wait3A_58, %dma_wait3A_59] : memref<253952x128xf32, #tpu.memory_space<hbm>> -> memref<253952x128xf32, #tpu.memory_space<hbm>>
    tpu.wait_indirect_dma semaphore(%arg7 : memref<!tpu.dma_semaphore, #tpu.memory_space<semaphore_mem>>) src(%dma_wait3A_60 : memref<253952x128xf32, #tpu.memory_space<hbm>>) dst(%dma_wait3A_54 : memref<128x128xf32, #tpu.memory_space<vmem>>)
    %dma_wait3A_61 = arith.constant 2 : i32
    %dma_wait3A_62 = arith.constant 256 : i32
    %dma_wait3A_63 = arith.constant 0 : i32
    %dma_wait3A_64 = tpu.memref_slice %arg6[%dma_wait3A_62, %dma_wait3A_63] : memref<512x128xf32, #tpu.memory_space<vmem>> -> memref<128x128xf32, #tpu.memory_space<vmem>>
    %dma_wait3A_65 = arith.constant 0 : i32
    %dma_wait3A_66 = tpu.memref_slice %arg5[%dma_wait3A_61, %dma_wait3A_65] : memref<4x128xi32, #tpu.memory_space<vmem>> -> memref<1x128xi32, #tpu.memory_space<vmem>>
    %dma_wait3A_67 = tpu.memref_squeeze %dma_wait3A_66 : memref<1x128xi32, #tpu.memory_space<vmem>> -> memref<128xi32, #tpu.memory_space<vmem>>
    %dma_wait3A_68 = arith.constant 0 : i32
    %dma_wait3A_69 = arith.constant 0 : i32
    %dma_wait3A_70 = tpu.memref_slice %arg3[%dma_wait3A_68, %dma_wait3A_69] : memref<253952x128xf32, #tpu.memory_space<hbm>> -> memref<253952x128xf32, #tpu.memory_space<hbm>>
    tpu.wait_indirect_dma semaphore(%arg7 : memref<!tpu.dma_semaphore, #tpu.memory_space<semaphore_mem>>) src(%dma_wait3A_70 : memref<253952x128xf32, #tpu.memory_space<hbm>>) dst(%dma_wait3A_64 : memref<128x128xf32, #tpu.memory_space<vmem>>)
    %dma_wait3A_71 = arith.constant 3 : i32
    %dma_wait3A_72 = arith.constant 384 : i32
    %dma_wait3A_73 = arith.constant 0 : i32
    %dma_wait3A_74 = tpu.memref_slice %arg6[%dma_wait3A_72, %dma_wait3A_73] : memref<512x128xf32, #tpu.memory_space<vmem>> -> memref<128x128xf32, #tpu.memory_space<vmem>>
    %dma_wait3A_75 = arith.constant 0 : i32
    %dma_wait3A_76 = tpu.memref_slice %arg5[%dma_wait3A_71, %dma_wait3A_75] : memref<4x128xi32, #tpu.memory_space<vmem>> -> memref<1x128xi32, #tpu.memory_space<vmem>>
    %dma_wait3A_77 = tpu.memref_squeeze %dma_wait3A_76 : memref<1x128xi32, #tpu.memory_space<vmem>> -> memref<128xi32, #tpu.memory_space<vmem>>
    %dma_wait3A_78 = arith.constant 0 : i32
    %dma_wait3A_79 = arith.constant 0 : i32
    %dma_wait3A_80 = tpu.memref_slice %arg3[%dma_wait3A_78, %dma_wait3A_79] : memref<253952x128xf32, #tpu.memory_space<hbm>> -> memref<253952x128xf32, #tpu.memory_space<hbm>>
    tpu.wait_indirect_dma semaphore(%arg7 : memref<!tpu.dma_semaphore, #tpu.memory_space<semaphore_mem>>) src(%dma_wait3A_80 : memref<253952x128xf32, #tpu.memory_space<hbm>>) dst(%dma_wait3A_74 : memref<128x128xf32, #tpu.memory_space<vmem>>)
    %mul3A_81 = arith.constant 512 : i32
    %mul3A_82 = arith.muli %add3A, %mul3A_81 : i32
    "tpu.region"() ({
      %run_scoped3A = tpu.sem_alloc : memref<!tpu.dma_semaphore, #tpu.memory_space<semaphore_mem>>
      %dma_start3A_83 = arith.constant 0 : i32
      %dma_start3A_84 = tpu.memref_slice %arg4[%mul3A_82, %dma_start3A_83] : memref<16384x128xf32, #tpu.memory_space<hbm>> -> memref<512x128xf32, #tpu.memory_space<hbm>>
      %dma_start3A_85 = arith.constant 0 : i32
      %dma_start3A_86 = tpu.memref_slice %arg4[%mul3A_82, %dma_start3A_85] : memref<16384x128xf32, #tpu.memory_space<hbm>> -> memref<512x128xf32, #tpu.memory_space<hbm>>
      tpu.enqueue_dma source(%arg6 : memref<512x128xf32, #tpu.memory_space<vmem>>) target(%dma_start3A_86 : memref<512x128xf32, #tpu.memory_space<hbm>>) target_semaphore(%run_scoped3A : memref<!tpu.dma_semaphore, #tpu.memory_space<semaphore_mem>>)
      %dma_wait3A_87 = arith.constant 0 : i32
      %dma_wait3A_88 = tpu.memref_slice %arg4[%mul3A_82, %dma_wait3A_87] : memref<16384x128xf32, #tpu.memory_space<hbm>> -> memref<512x128xf32, #tpu.memory_space<hbm>>
      %dma_wait3A_89 = arith.constant 0 : i32
      %dma_wait3A_90 = tpu.memref_slice %arg4[%mul3A_82, %dma_wait3A_89] : memref<16384x128xf32, #tpu.memory_space<hbm>> -> memref<512x128xf32, #tpu.memory_space<hbm>>
      tpu.wait_dma2 semaphore(%run_scoped3A : memref<!tpu.dma_semaphore, #tpu.memory_space<semaphore_mem>>) src(%arg6 : memref<512x128xf32, #tpu.memory_space<vmem>>) dst(%dma_wait3A_90 : memref<512x128xf32, #tpu.memory_space<hbm>>)
      tpu.yield
    }) : () -> ()
    return
  }
}

module attributes {stable_mosaic.version = 14 : i64} {
  func.func @_mm_body(%arg0: i32, %arg1: memref<2048x128xf32, #tpu.memory_space<vmem>>, %arg2: memref<2048x128xi8, #tpu.memory_space<vmem>>, %arg3: memref<128x128xf32, #tpu.memory_space<vmem>>, %arg4: memref<1x128xf32, #tpu.memory_space<vmem>>, %arg5: memref<2048x128xf32, #tpu.memory_space<vmem>>) attributes {dimension_semantics = [#tpu.dimension_semantics<arbitrary>], iteration_bounds = array<i64: 8>, scalar_prefetch = 0 : i64, scratch_operands = 0 : i64, tpu.core_type = #tpu.core_type<tc>, window_params = [{transform_indices = @transform_0, window_bounds = array<i64: 2048, 128>}, {transform_indices = @transform_1, window_bounds = array<i64: 2048, 128>}, {pipeline_mode = #tpu.pipeline_mode<synchronous>, transform_indices = @transform_2, window_bounds = array<i64: 128, 128>}, {pipeline_mode = #tpu.pipeline_mode<synchronous>, transform_indices = @transform_3, window_bounds = array<i64: 1, 128>}, {transform_indices = @transform_4, window_bounds = array<i64: 2048, 128>}]} {
    %get3A = arith.constant 0 : index
    %get3A_0 = arith.constant 0 : index
    %get3A_1 = vector.load %arg1[%get3A, %get3A_0] : memref<2048x128xf32, #tpu.memory_space<vmem>>, vector<2048x128xf32>
    %bitcast_convert_type3A = tpu.bitcast %get3A_1 : vector<2048x128xf32> -> vector<2048x128xi32>
    %shift_left3A = arith.constant 16 : i32
    %shift_left3A_2 = vector.broadcast %shift_left3A : i32 to vector<2048x128xi32>
    %shift_left3A_3 = arith.shli %bitcast_convert_type3A, %shift_left3A_2 : vector<2048x128xi32>
    %bitcast_convert_type3A_4 = tpu.bitcast %shift_left3A_3 : vector<2048x128xi32> -> vector<2048x128xf32>
    %and3A = arith.constant -65536 : i32
    %and3A_5 = vector.broadcast %and3A : i32 to vector<2048x128xi32>
    %and3A_6 = arith.andi %bitcast_convert_type3A, %and3A_5 : vector<2048x128xi32>
    %bitcast_convert_type3A_7 = tpu.bitcast %and3A_6 : vector<2048x128xi32> -> vector<2048x128xf32>
    %get3A_8 = arith.constant 0 : index
    %get3A_9 = arith.constant 0 : index
    %get3A_10 = vector.load %arg2[%get3A_8, %get3A_9] : memref<2048x128xi8, #tpu.memory_space<vmem>>, vector<2048x128xi8>
    %convert_element_type3A = arith.extsi %get3A_10 : vector<2048x128xi8> to vector<2048x128xi32>
    %and3A_11 = arith.constant 1 : i32
    %and3A_12 = vector.broadcast %and3A_11 : i32 to vector<2048x128xi32>
    %and3A_13 = arith.andi %convert_element_type3A, %and3A_12 : vector<2048x128xi32>
    %eq3A = arith.constant 1 : i32
    %eq3A_14 = vector.broadcast %eq3A : i32 to vector<2048x128xi32>
    %eq3A_15 = arith.cmpi eq, %and3A_13, %eq3A_14 : vector<2048x128xi32>
    %select_n3A = arith.select %eq3A_15, %bitcast_convert_type3A_7, %bitcast_convert_type3A_4 : vector<2048x128xi1>, vector<2048x128xf32>
    %iota3A = tpu.iota {dimensions = array<i32: 1>} : vector<2048x128xi32>
    %ge3A = arith.constant 64 : i32
    %ge3A_16 = vector.broadcast %ge3A : i32 to vector<2048x128xi32>
    %ge3A_17 = arith.cmpi sge, %iota3A, %ge3A_16 : vector<2048x128xi32>
    %ge3A_18 = arith.constant 2 : i32
    %ge3A_19 = vector.broadcast %ge3A_18 : i32 to vector<2048x128xi32>
    %ge3A_20 = arith.cmpi sge, %convert_element_type3A, %ge3A_19 : vector<2048x128xi32>
    %eq3A_21 = arith.xori %ge3A_17, %ge3A_20 : vector<2048x128xi1>
    %eq3A_22 = arith.constant dense<true> : vector<2048x128xi1>
    %eq3A_23 = arith.xori %eq3A_21, %eq3A_22 : vector<2048x128xi1>
    %jit3A = arith.constant 0.000000e+00 : f32
    %broadcast_in_dim3A = vector.broadcast %jit3A : f32 to vector<2048x128xf32>
    %select_n3A_24 = arith.select %eq3A_23, %select_n3A, %broadcast_in_dim3A : vector<2048x128xi1>, vector<2048x128xf32>
    %get3A_25 = arith.constant 0 : index
    %get3A_26 = arith.constant 0 : index
    %get3A_27 = vector.load %arg3[%get3A_25, %get3A_26] : memref<128x128xf32, #tpu.memory_space<vmem>>, vector<128x128xf32>
    %dot_general3A = arith.constant dense<0.000000e+00> : vector<2048x128xf32>
    %dot_general3A_28 = tpu.matmul %select_n3A_24, %get3A_27, %dot_general3A {dimension_numbers = #tpu.dot_dimension_numbers<[1], [0], [0], [1], [0, 0, 1, 1], [], []>, transpose_lhs_hint = false} : vector<2048x128xf32>, vector<128x128xf32>, vector<2048x128xf32> -> vector<2048x128xf32>
    %get3A_29 = arith.constant 0 : index
    %get3A_30 = arith.constant 0 : index
    %get3A_31 = vector.load %arg4[%get3A_29, %get3A_30] : memref<1x128xf32, #tpu.memory_space<vmem>>, vector<1x128xf32>
    %add3A = vector.broadcast %get3A_31 : vector<1x128xf32> to vector<2048x128xf32>
    %add3A_32 = arith.addf %dot_general3A_28, %add3A : vector<2048x128xf32>
    %swap3A = arith.constant 0 : index
    %swap3A_33 = arith.constant 0 : index
    %swap3A_34 = vector.load %arg5[%swap3A, %swap3A_33] : memref<2048x128xf32, #tpu.memory_space<vmem>>, vector<2048x128xf32>
    tpu.vector_store %arg5[%swap3A, %swap3A_33], %add3A_32 {strides = array<i32>} : memref<2048x128xf32, #tpu.memory_space<vmem>>, vector<2048x128xf32>,
    return
  }
  func.func @transform_0(%arg0: i32) -> (i32, i32) {
    %c0_i32 = arith.constant 0 : i32
    %c0_i32_0 = arith.constant 0 : i32
    return %arg0, %c0_i32 : i32, i32
  }
  func.func @transform_1(%arg0: i32) -> (i32, i32) {
    %c0_i32 = arith.constant 0 : i32
    %c0_i32_0 = arith.constant 0 : i32
    return %arg0, %c0_i32 : i32, i32
  }
  func.func @transform_2(%arg0: i32) -> (i32, i32) {
    %c0_i32 = arith.constant 0 : i32
    %c0_i32_0 = arith.constant 0 : i32
    %c0_i32_1 = arith.constant 0 : i32
    return %c0_i32, %c0_i32_0 : i32, i32
  }
  func.func @transform_3(%arg0: i32) -> (i32, i32) {
    %c0_i32 = arith.constant 0 : i32
    %c0_i32_0 = arith.constant 0 : i32
    %c0_i32_1 = arith.constant 0 : i32
    return %c0_i32, %c0_i32_0 : i32, i32
  }
  func.func @transform_4(%arg0: i32) -> (i32, i32) {
    %c0_i32 = arith.constant 0 : i32
    %c0_i32_0 = arith.constant 0 : i32
    return %arg0, %c0_i32 : i32, i32
  }
}

module attributes {stable_mosaic.version = 14 : i64} {
  func.func @_pack_body(%arg0: i32, %arg1: memref<64x32768xf32, #tpu.memory_space<vmem>>, %arg2: memref<64x64xf32, #tpu.memory_space<vmem>>, %arg3: memref<8192x128xf32, #tpu.memory_space<vmem>>) attributes {dimension_semantics = [#tpu.dimension_semantics<arbitrary>], iteration_bounds = array<i64: 31>, scalar_prefetch = 0 : i64, scratch_operands = 0 : i64, tpu.core_type = #tpu.core_type<tc>, window_params = [{transform_indices = @transform_0, window_bounds = array<i64: 64, 32768>}, {pipeline_mode = #tpu.pipeline_mode<synchronous>, transform_indices = @transform_1, window_bounds = array<i64: 64, 64>}, {transform_indices = @transform_2, window_bounds = array<i64: 8192, 128>}]} {
    %get3A = arith.constant 0 : index
    %get3A_0 = arith.constant 0 : index
    %get3A_1 = vector.load %arg1[%get3A, %get3A_0] : memref<64x32768xf32, #tpu.memory_space<vmem>>, vector<64x32768xf32>
    %get3A_2 = arith.constant 0 : index
    %get3A_3 = arith.constant 0 : index
    %get3A_4 = vector.load %arg2[%get3A_2, %get3A_3] : memref<64x64xf32, #tpu.memory_space<vmem>>, vector<64x64xf32>
    %convert_element_type3A = arith.truncf %get3A_1 : vector<64x32768xf32> to vector<64x32768xbf16>
    %convert_element_type3A_5 = arith.truncf %get3A_4 : vector<64x64xf32> to vector<64x64xbf16>
    %slice3A = vector.extract_strided_slice %convert_element_type3A {offsets = [0, 0], sizes = [64, 1024], strides = [1, 1]} : vector<64x32768xbf16> to vector<64x1024xbf16>
    %dot_general3A = arith.constant dense<0.000000e+00> : vector<1024x64xf32>
    %dot_general3A_6 = tpu.matmul %slice3A, %convert_element_type3A_5, %dot_general3A {dimension_numbers = #tpu.dot_dimension_numbers<[0], [0], [1], [1], [0, 1, 1, 1], [], []>, transpose_lhs_hint = false} : vector<64x1024xbf16>, vector<64x64xbf16>, vector<1024x64xf32> -> vector<1024x64xf32>
    %bitcast_convert_type3A = tpu.bitcast %dot_general3A_6 : vector<1024x64xf32> -> vector<1024x64xi32>
    %shift_right_arithmetic3A = arith.constant 16 : i32
    %shift_right_arithmetic3A_7 = vector.broadcast %shift_right_arithmetic3A : i32 to vector<1024x64xi32>
    %shift_right_arithmetic3A_8 = arith.shrsi %bitcast_convert_type3A, %shift_right_arithmetic3A_7 : vector<1024x64xi32>
    %slice3A_9 = vector.extract_strided_slice %shift_right_arithmetic3A_8 {offsets = [0, 0], sizes = [256, 64], strides = [1, 1]} : vector<1024x64xi32> to vector<256x64xi32>
    %and3A = arith.constant 65535 : i32
    %and3A_10 = vector.broadcast %and3A : i32 to vector<256x64xi32>
    %and3A_11 = arith.andi %slice3A_9, %and3A_10 : vector<256x64xi32>
    %slice3A_12 = vector.extract_strided_slice %shift_right_arithmetic3A_8 {offsets = [256, 0], sizes = [256, 64], strides = [1, 1]} : vector<1024x64xi32> to vector<256x64xi32>
    %shift_left3A = arith.constant 16 : i32
    %shift_left3A_13 = vector.broadcast %shift_left3A : i32 to vector<256x64xi32>
    %shift_left3A_14 = arith.shli %slice3A_12, %shift_left3A_13 : vector<256x64xi32>
    %or3A = arith.ori %and3A_11, %shift_left3A_14 : vector<256x64xi32>
    %slice3A_15 = vector.extract_strided_slice %shift_right_arithmetic3A_8 {offsets = [512, 0], sizes = [256, 64], strides = [1, 1]} : vector<1024x64xi32> to vector<256x64xi32>
    %and3A_16 = arith.constant 65535 : i32
    %and3A_17 = vector.broadcast %and3A_16 : i32 to vector<256x64xi32>
    %and3A_18 = arith.andi %slice3A_15, %and3A_17 : vector<256x64xi32>
    %slice3A_19 = vector.extract_strided_slice %shift_right_arithmetic3A_8 {offsets = [768, 0], sizes = [256, 64], strides = [1, 1]} : vector<1024x64xi32> to vector<256x64xi32>
    %shift_left3A_20 = arith.constant 16 : i32
    %shift_left3A_21 = vector.broadcast %shift_left3A_20 : i32 to vector<256x64xi32>
    %shift_left3A_22 = arith.shli %slice3A_19, %shift_left3A_21 : vector<256x64xi32>
    %or3A_23 = arith.ori %and3A_18, %shift_left3A_22 : vector<256x64xi32>
    %bitcast_convert_type3A_24 = tpu.bitcast %or3A : vector<256x64xi32> -> vector<256x64xf32>
    %swap3A = arith.constant 0 : index
    %swap3A_25 = arith.constant 0 : index
    %swap3A_26 = vector.load %arg3[%swap3A, %swap3A_25] : memref<8192x128xf32, #tpu.memory_space<vmem>>, vector<256x64xf32>
    tpu.vector_store %arg3[%swap3A, %swap3A_25], %bitcast_convert_type3A_24 {strides = array<i32>} : memref<8192x128xf32, #tpu.memory_space<vmem>>, vector<256x64xf32>,
    %bitcast_convert_type3A_27 = tpu.bitcast %or3A_23 : vector<256x64xi32> -> vector<256x64xf32>
    %swap3A_28 = arith.constant 0 : index
    %swap3A_29 = arith.constant 64 : index
    %swap3A_30 = vector.load %arg3[%swap3A_28, %swap3A_29] : memref<8192x128xf32, #tpu.memory_space<vmem>>, vector<256x64xf32>
    tpu.vector_store %arg3[%swap3A_28, %swap3A_29], %bitcast_convert_type3A_27 {strides = array<i32>} : memref<8192x128xf32, #tpu.memory_space<vmem>>, vector<256x64xf32>,
    %slice3A_31 = vector.extract_strided_slice %convert_element_type3A {offsets = [0, 1024], sizes = [64, 1024], strides = [1, 1]} : vector<64x32768xbf16> to vector<64x1024xbf16>
    %dot_general3A_32 = arith.constant dense<0.000000e+00> : vector<1024x64xf32>
    %dot_general3A_33 = tpu.matmul %slice3A_31, %convert_element_type3A_5, %dot_general3A_32 {dimension_numbers = #tpu.dot_dimension_numbers<[0], [0], [1], [1], [0, 1, 1, 1], [], []>, transpose_lhs_hint = false} : vector<64x1024xbf16>, vector<64x64xbf16>, vector<1024x64xf32> -> vector<1024x64xf32>
    %bitcast_convert_type3A_34 = tpu.bitcast %dot_general3A_33 : vector<1024x64xf32> -> vector<1024x64xi32>
    %shift_right_arithmetic3A_35 = arith.constant 16 : i32
    %shift_right_arithmetic3A_36 = vector.broadcast %shift_right_arithmetic3A_35 : i32 to vector<1024x64xi32>
    %shift_right_arithmetic3A_37 = arith.shrsi %bitcast_convert_type3A_34, %shift_right_arithmetic3A_36 : vector<1024x64xi32>
    %slice3A_38 = vector.extract_strided_slice %shift_right_arithmetic3A_37 {offsets = [0, 0], sizes = [256, 64], strides = [1, 1]} : vector<1024x64xi32> to vector<256x64xi32>
    %and3A_39 = arith.constant 65535 : i32
    %and3A_40 = vector.broadcast %and3A_39 : i32 to vector<256x64xi32>
    %and3A_41 = arith.andi %slice3A_38, %and3A_40 : vector<256x64xi32>
    %slice3A_42 = vector.extract_strided_slice %shift_right_arithmetic3A_37 {offsets = [256, 0], sizes = [256, 64], strides = [1, 1]} : vector<1024x64xi32> to vector<256x64xi32>
    %shift_left3A_43 = arith.constant 16 : i32
    %shift_left3A_44 = vector.broadcast %shift_left3A_43 : i32 to vector<256x64xi32>
    %shift_left3A_45 = arith.shli %slice3A_42, %shift_left3A_44 : vector<256x64xi32>
    %or3A_46 = arith.ori %and3A_41, %shift_left3A_45 : vector<256x64xi32>
    %slice3A_47 = vector.extract_strided_slice %shift_right_arithmetic3A_37 {offsets = [512, 0], sizes = [256, 64], strides = [1, 1]} : vector<1024x64xi32> to vector<256x64xi32>
    %and3A_48 = arith.constant 65535 : i32
    %and3A_49 = vector.broadcast %and3A_48 : i32 to vector<256x64xi32>
    %and3A_50 = arith.andi %slice3A_47, %and3A_49 : vector<256x64xi32>
    %slice3A_51 = vector.extract_strided_slice %shift_right_arithmetic3A_37 {offsets = [768, 0], sizes = [256, 64], strides = [1, 1]} : vector<1024x64xi32> to vector<256x64xi32>
    %shift_left3A_52 = arith.constant 16 : i32
    %shift_left3A_53 = vector.broadcast %shift_left3A_52 : i32 to vector<256x64xi32>
    %shift_left3A_54 = arith.shli %slice3A_51, %shift_left3A_53 : vector<256x64xi32>
    %or3A_55 = arith.ori %and3A_50, %shift_left3A_54 : vector<256x64xi32>
    %bitcast_convert_type3A_56 = tpu.bitcast %or3A_46 : vector<256x64xi32> -> vector<256x64xf32>
    %swap3A_57 = arith.constant 256 : index
    %swap3A_58 = arith.constant 0 : index
    %swap3A_59 = vector.load %arg3[%swap3A_57, %swap3A_58] : memref<8192x128xf32, #tpu.memory_space<vmem>>, vector<256x64xf32>
    tpu.vector_store %arg3[%swap3A_57, %swap3A_58], %bitcast_convert_type3A_56 {strides = array<i32>} : memref<8192x128xf32, #tpu.memory_space<vmem>>, vector<256x64xf32>,
    %bitcast_convert_type3A_60 = tpu.bitcast %or3A_55 : vector<256x64xi32> -> vector<256x64xf32>
    %swap3A_61 = arith.constant 256 : index
    %swap3A_62 = arith.constant 64 : index
    %swap3A_63 = vector.load %arg3[%swap3A_61, %swap3A_62] : memref<8192x128xf32, #tpu.memory_space<vmem>>, vector<256x64xf32>
    tpu.vector_store %arg3[%swap3A_61, %swap3A_62], %bitcast_convert_type3A_60 {strides = array<i32>} : memref<8192x128xf32, #tpu.memory_space<vmem>>, vector<256x64xf32>,
    %slice3A_64 = vector.extract_strided_slice %convert_element_type3A {offsets = [0, 2048], sizes = [64, 1024], strides = [1, 1]} : vector<64x32768xbf16> to vector<64x1024xbf16>
    %dot_general3A_65 = arith.constant dense<0.000000e+00> : vector<1024x64xf32>
    %dot_general3A_66 = tpu.matmul %slice3A_64, %convert_element_type3A_5, %dot_general3A_65 {dimension_numbers = #tpu.dot_dimension_numbers<[0], [0], [1], [1], [0, 1, 1, 1], [], []>, transpose_lhs_hint = false} : vector<64x1024xbf16>, vector<64x64xbf16>, vector<1024x64xf32> -> vector<1024x64xf32>
    %bitcast_convert_type3A_67 = tpu.bitcast %dot_general3A_66 : vector<1024x64xf32> -> vector<1024x64xi32>
    %shift_right_arithmetic3A_68 = arith.constant 16 : i32
    %shift_right_arithmetic3A_69 = vector.broadcast %shift_right_arithmetic3A_68 : i32 to vector<1024x64xi32>
    %shift_right_arithmetic3A_70 = arith.shrsi %bitcast_convert_type3A_67, %shift_right_arithmetic3A_69 : vector<1024x64xi32>
    %slice3A_71 = vector.extract_strided_slice %shift_right_arithmetic3A_70 {offsets = [0, 0], sizes = [256, 64], strides = [1, 1]} : vector<1024x64xi32> to vector<256x64xi32>
    %and3A_72 = arith.constant 65535 : i32
    %and3A_73 = vector.broadcast %and3A_72 : i32 to vector<256x64xi32>
    %and3A_74 = arith.andi %slice3A_71, %and3A_73 : vector<256x64xi32>
    %slice3A_75 = vector.extract_strided_slice %shift_right_arithmetic3A_70 {offsets = [256, 0], sizes = [256, 64], strides = [1, 1]} : vector<1024x64xi32> to vector<256x64xi32>
    %shift_left3A_76 = arith.constant 16 : i32
    %shift_left3A_77 = vector.broadcast %shift_left3A_76 : i32 to vector<256x64xi32>
    %shift_left3A_78 = arith.shli %slice3A_75, %shift_left3A_77 : vector<256x64xi32>
    %or3A_79 = arith.ori %and3A_74, %shift_left3A_78 : vector<256x64xi32>
    %slice3A_80 = vector.extract_strided_slice %shift_right_arithmetic3A_70 {offsets = [512, 0], sizes = [256, 64], strides = [1, 1]} : vector<1024x64xi32> to vector<256x64xi32>
    %and3A_81 = arith.constant 65535 : i32
    %and3A_82 = vector.broadcast %and3A_81 : i32 to vector<256x64xi32>
    %and3A_83 = arith.andi %slice3A_80, %and3A_82 : vector<256x64xi32>
    %slice3A_84 = vector.extract_strided_slice %shift_right_arithmetic3A_70 {offsets = [768, 0], sizes = [256, 64], strides = [1, 1]} : vector<1024x64xi32> to vector<256x64xi32>
    %shift_left3A_85 = arith.constant 16 : i32
    %shift_left3A_86 = vector.broadcast %shift_left3A_85 : i32 to vector<256x64xi32>
    %shift_left3A_87 = arith.shli %slice3A_84, %shift_left3A_86 : vector<256x64xi32>
    %or3A_88 = arith.ori %and3A_83, %shift_left3A_87 : vector<256x64xi32>
    %bitcast_convert_type3A_89 = tpu.bitcast %or3A_79 : vector<256x64xi32> -> vector<256x64xf32>
    %swap3A_90 = arith.constant 512 : index
    %swap3A_91 = arith.constant 0 : index
    %swap3A_92 = vector.load %arg3[%swap3A_90, %swap3A_91] : memref<8192x128xf32, #tpu.memory_space<vmem>>, vector<256x64xf32>
    tpu.vector_store %arg3[%swap3A_90, %swap3A_91], %bitcast_convert_type3A_89 {strides = array<i32>} : memref<8192x128xf32, #tpu.memory_space<vmem>>, vector<256x64xf32>,
    %bitcast_convert_type3A_93 = tpu.bitcast %or3A_88 : vector<256x64xi32> -> vector<256x64xf32>
    %swap3A_94 = arith.constant 512 : index
    %swap3A_95 = arith.constant 64 : index
    %swap3A_96 = vector.load %arg3[%swap3A_94, %swap3A_95] : memref<8192x128xf32, #tpu.memory_space<vmem>>, vector<256x64xf32>
    tpu.vector_store %arg3[%swap3A_94, %swap3A_95], %bitcast_convert_type3A_93 {strides = array<i32>} : memref<8192x128xf32, #tpu.memory_space<vmem>>, vector<256x64xf32>,
    %slice3A_97 = vector.extract_strided_slice %convert_element_type3A {offsets = [0, 3072], sizes = [64, 1024], strides = [1, 1]} : vector<64x32768xbf16> to vector<64x1024xbf16>
    %dot_general3A_98 = arith.constant dense<0.000000e+00> : vector<1024x64xf32>
    %dot_general3A_99 = tpu.matmul %slice3A_97, %convert_element_type3A_5, %dot_general3A_98 {dimension_numbers = #tpu.dot_dimension_numbers<[0], [0], [1], [1], [0, 1, 1, 1], [], []>, transpose_lhs_hint = false} : vector<64x1024xbf16>, vector<64x64xbf16>, vector<1024x64xf32> -> vector<1024x64xf32>
    %bitcast_convert_type3A_100 = tpu.bitcast %dot_general3A_99 : vector<1024x64xf32> -> vector<1024x64xi32>
    %shift_right_arithmetic3A_101 = arith.constant 16 : i32
    %shift_right_arithmetic3A_102 = vector.broadcast %shift_right_arithmetic3A_101 : i32 to vector<1024x64xi32>
    %shift_right_arithmetic3A_103 = arith.shrsi %bitcast_convert_type3A_100, %shift_right_arithmetic3A_102 : vector<1024x64xi32>
    %slice3A_104 = vector.extract_strided_slice %shift_right_arithmetic3A_103 {offsets = [0, 0], sizes = [256, 64], strides = [1, 1]} : vector<1024x64xi32> to vector<256x64xi32>
    %and3A_105 = arith.constant 65535 : i32
    %and3A_106 = vector.broadcast %and3A_105 : i32 to vector<256x64xi32>
    %and3A_107 = arith.andi %slice3A_104, %and3A_106 : vector<256x64xi32>
    %slice3A_108 = vector.extract_strided_slice %shift_right_arithmetic3A_103 {offsets = [256, 0], sizes = [256, 64], strides = [1, 1]} : vector<1024x64xi32> to vector<256x64xi32>
    %shift_left3A_109 = arith.constant 16 : i32
    %shift_left3A_110 = vector.broadcast %shift_left3A_109 : i32 to vector<256x64xi32>
    %shift_left3A_111 = arith.shli %slice3A_108, %shift_left3A_110 : vector<256x64xi32>
    %or3A_112 = arith.ori %and3A_107, %shift_left3A_111 : vector<256x64xi32>
    %slice3A_113 = vector.extract_strided_slice %shift_right_arithmetic3A_103 {offsets = [512, 0], sizes = [256, 64], strides = [1, 1]} : vector<1024x64xi32> to vector<256x64xi32>
    %and3A_114 = arith.constant 65535 : i32
    %and3A_115 = vector.broadcast %and3A_114 : i32 to vector<256x64xi32>
    %and3A_116 = arith.andi %slice3A_113, %and3A_115 : vector<256x64xi32>
    %slice3A_117 = vector.extract_strided_slice %shift_right_arithmetic3A_103 {offsets = [768, 0], sizes = [256, 64], strides = [1, 1]} : vector<1024x64xi32> to vector<256x64xi32>
    %shift_left3A_118 = arith.constant 16 : i32
    %shift_left3A_119 = vector.broadcast %shift_left3A_118 : i32 to vector<256x64xi32>
    %shift_left3A_120 = arith.shli %slice3A_117, %shift_left3A_119 : vector<256x64xi32>
    %or3A_121 = arith.ori %and3A_116, %shift_left3A_120 : vector<256x64xi32>
    %bitcast_convert_type3A_122 = tpu.bitcast %or3A_112 : vector<256x64xi32> -> vector<256x64xf32>
    %swap3A_123 = arith.constant 768 : index
    %swap3A_124 = arith.constant 0 : index
    %swap3A_125 = vector.load %arg3[%swap3A_123, %swap3A_124] : memref<8192x128xf32, #tpu.memory_space<vmem>>, vector<256x64xf32>
    tpu.vector_store %arg3[%swap3A_123, %swap3A_124], %bitcast_convert_type3A_122 {strides = array<i32>} : memref<8192x128xf32, #tpu.memory_space<vmem>>, vector<256x64xf32>,
    %bitcast_convert_type3A_126 = tpu.bitcast %or3A_121 : vector<256x64xi32> -> vector<256x64xf32>
    %swap3A_127 = arith.constant 768 : index
    %swap3A_128 = arith.constant 64 : index
    %swap3A_129 = vector.load %arg3[%swap3A_127, %swap3A_128] : memref<8192x128xf32, #tpu.memory_space<vmem>>, vector<256x64xf32>
    tpu.vector_store %arg3[%swap3A_127, %swap3A_128], %bitcast_convert_type3A_126 {strides = array<i32>} : memref<8192x128xf32, #tpu.memory_space<vmem>>, vector<256x64xf32>,
    %slice3A_130 = vector.extract_strided_slice %convert_element_type3A {offsets = [0, 4096], sizes = [64, 1024], strides = [1, 1]} : vector<64x32768xbf16> to vector<64x1024xbf16>
    %dot_general3A_131 = arith.constant dense<0.000000e+00> : vector<1024x64xf32>
    %dot_general3A_132 = tpu.matmul %slice3A_130, %convert_element_type3A_5, %dot_general3A_131 {dimension_numbers = #tpu.dot_dimension_numbers<[0], [0], [1], [1], [0, 1, 1, 1], [], []>, transpose_lhs_hint = false} : vector<64x1024xbf16>, vector<64x64xbf16>, vector<1024x64xf32> -> vector<1024x64xf32>
    %bitcast_convert_type3A_133 = tpu.bitcast %dot_general3A_132 : vector<1024x64xf32> -> vector<1024x64xi32>
    %shift_right_arithmetic3A_134 = arith.constant 16 : i32
    %shift_right_arithmetic3A_135 = vector.broadcast %shift_right_arithmetic3A_134 : i32 to vector<1024x64xi32>
    %shift_right_arithmetic3A_136 = arith.shrsi %bitcast_convert_type3A_133, %shift_right_arithmetic3A_135 : vector<1024x64xi32>
    %slice3A_137 = vector.extract_strided_slice %shift_right_arithmetic3A_136 {offsets = [0, 0], sizes = [256, 64], strides = [1, 1]} : vector<1024x64xi32> to vector<256x64xi32>
    %and3A_138 = arith.constant 65535 : i32
    %and3A_139 = vector.broadcast %and3A_138 : i32 to vector<256x64xi32>
    %and3A_140 = arith.andi %slice3A_137, %and3A_139 : vector<256x64xi32>
    %slice3A_141 = vector.extract_strided_slice %shift_right_arithmetic3A_136 {offsets = [256, 0], sizes = [256, 64], strides = [1, 1]} : vector<1024x64xi32> to vector<256x64xi32>
    %shift_left3A_142 = arith.constant 16 : i32
    %shift_left3A_143 = vector.broadcast %shift_left3A_142 : i32 to vector<256x64xi32>
    %shift_left3A_144 = arith.shli %slice3A_141, %shift_left3A_143 : vector<256x64xi32>
    %or3A_145 = arith.ori %and3A_140, %shift_left3A_144 : vector<256x64xi32>
    %slice3A_146 = vector.extract_strided_slice %shift_right_arithmetic3A_136 {offsets = [512, 0], sizes = [256, 64], strides = [1, 1]} : vector<1024x64xi32> to vector<256x64xi32>
    %and3A_147 = arith.constant 65535 : i32
    %and3A_148 = vector.broadcast %and3A_147 : i32 to vector<256x64xi32>
    %and3A_149 = arith.andi %slice3A_146, %and3A_148 : vector<256x64xi32>
    %slice3A_150 = vector.extract_strided_slice %shift_right_arithmetic3A_136 {offsets = [768, 0], sizes = [256, 64], strides = [1, 1]} : vector<1024x64xi32> to vector<256x64xi32>
    %shift_left3A_151 = arith.constant 16 : i32
    %shift_left3A_152 = vector.broadcast %shift_left3A_151 : i32 to vector<256x64xi32>
    %shift_left3A_153 = arith.shli %slice3A_150, %shift_left3A_152 : vector<256x64xi32>
    %or3A_154 = arith.ori %and3A_149, %shift_left3A_153 : vector<256x64xi32>
    %bitcast_convert_type3A_155 = tpu.bitcast %or3A_145 : vector<256x64xi32> -> vector<256x64xf32>
    %swap3A_156 = arith.constant 1024 : index
    %swap3A_157 = arith.constant 0 : index
    %swap3A_158 = vector.load %arg3[%swap3A_156, %swap3A_157] : memref<8192x128xf32, #tpu.memory_space<vmem>>, vector<256x64xf32>
    tpu.vector_store %arg3[%swap3A_156, %swap3A_157], %bitcast_convert_type3A_155 {strides = array<i32>} : memref<8192x128xf32, #tpu.memory_space<vmem>>, vector<256x64xf32>,
    %bitcast_convert_type3A_159 = tpu.bitcast %or3A_154 : vector<256x64xi32> -> vector<256x64xf32>
    %swap3A_160 = arith.constant 1024 : index
    %swap3A_161 = arith.constant 64 : index
    %swap3A_162 = vector.load %arg3[%swap3A_160, %swap3A_161] : memref<8192x128xf32, #tpu.memory_space<vmem>>, vector<256x64xf32>
    tpu.vector_store %arg3[%swap3A_160, %swap3A_161], %bitcast_convert_type3A_159 {strides = array<i32>} : memref<8192x128xf32, #tpu.memory_space<vmem>>, vector<256x64xf32>,
    %slice3A_163 = vector.extract_strided_slice %convert_element_type3A {offsets = [0, 5120], sizes = [64, 1024], strides = [1, 1]} : vector<64x32768xbf16> to vector<64x1024xbf16>
    %dot_general3A_164 = arith.constant dense<0.000000e+00> : vector<1024x64xf32>
    %dot_general3A_165 = tpu.matmul %slice3A_163, %convert_element_type3A_5, %dot_general3A_164 {dimension_numbers = #tpu.dot_dimension_numbers<[0], [0], [1], [1], [0, 1, 1, 1], [], []>, transpose_lhs_hint = false} : vector<64x1024xbf16>, vector<64x64xbf16>, vector<1024x64xf32> -> vector<1024x64xf32>
    %bitcast_convert_type3A_166 = tpu.bitcast %dot_general3A_165 : vector<1024x64xf32> -> vector<1024x64xi32>
    %shift_right_arithmetic3A_167 = arith.constant 16 : i32
    %shift_right_arithmetic3A_168 = vector.broadcast %shift_right_arithmetic3A_167 : i32 to vector<1024x64xi32>
    %shift_right_arithmetic3A_169 = arith.shrsi %bitcast_convert_type3A_166, %shift_right_arithmetic3A_168 : vector<1024x64xi32>
    %slice3A_170 = vector.extract_strided_slice %shift_right_arithmetic3A_169 {offsets = [0, 0], sizes = [256, 64], strides = [1, 1]} : vector<1024x64xi32> to vector<256x64xi32>
    %and3A_171 = arith.constant 65535 : i32
    %and3A_172 = vector.broadcast %and3A_171 : i32 to vector<256x64xi32>
    %and3A_173 = arith.andi %slice3A_170, %and3A_172 : vector<256x64xi32>
    %slice3A_174 = vector.extract_strided_slice %shift_right_arithmetic3A_169 {offsets = [256, 0], sizes = [256, 64], strides = [1, 1]} : vector<1024x64xi32> to vector<256x64xi32>
    %shift_left3A_175 = arith.constant 16 : i32
    %shift_left3A_176 = vector.broadcast %shift_left3A_175 : i32 to vector<256x64xi32>
    %shift_left3A_177 = arith.shli %slice3A_174, %shift_left3A_176 : vector<256x64xi32>
    %or3A_178 = arith.ori %and3A_173, %shift_left3A_177 : vector<256x64xi32>
    %slice3A_179 = vector.extract_strided_slice %shift_right_arithmetic3A_169 {offsets = [512, 0], sizes = [256, 64], strides = [1, 1]} : vector<1024x64xi32> to vector<256x64xi32>
    %and3A_180 = arith.constant 65535 : i32
    %and3A_181 = vector.broadcast %and3A_180 : i32 to vector<256x64xi32>
    %and3A_182 = arith.andi %slice3A_179, %and3A_181 : vector<256x64xi32>
    %slice3A_183 = vector.extract_strided_slice %shift_right_arithmetic3A_169 {offsets = [768, 0], sizes = [256, 64], strides = [1, 1]} : vector<1024x64xi32> to vector<256x64xi32>
    %shift_left3A_184 = arith.constant 16 : i32
    %shift_left3A_185 = vector.broadcast %shift_left3A_184 : i32 to vector<256x64xi32>
    %shift_left3A_186 = arith.shli %slice3A_183, %shift_left3A_185 : vector<256x64xi32>
    %or3A_187 = arith.ori %and3A_182, %shift_left3A_186 : vector<256x64xi32>
    %bitcast_convert_type3A_188 = tpu.bitcast %or3A_178 : vector<256x64xi32> -> vector<256x64xf32>
    %swap3A_189 = arith.constant 1280 : index
    %swap3A_190 = arith.constant 0 : index
    %swap3A_191 = vector.load %arg3[%swap3A_189, %swap3A_190] : memref<8192x128xf32, #tpu.memory_space<vmem>>, vector<256x64xf32>
    tpu.vector_store %arg3[%swap3A_189, %swap3A_190], %bitcast_convert_type3A_188 {strides = array<i32>} : memref<8192x128xf32, #tpu.memory_space<vmem>>, vector<256x64xf32>,
    %bitcast_convert_type3A_192 = tpu.bitcast %or3A_187 : vector<256x64xi32> -> vector<256x64xf32>
    %swap3A_193 = arith.constant 1280 : index
    %swap3A_194 = arith.constant 64 : index
    %swap3A_195 = vector.load %arg3[%swap3A_193, %swap3A_194] : memref<8192x128xf32, #tpu.memory_space<vmem>>, vector<256x64xf32>
    tpu.vector_store %arg3[%swap3A_193, %swap3A_194], %bitcast_convert_type3A_192 {strides = array<i32>} : memref<8192x128xf32, #tpu.memory_space<vmem>>, vector<256x64xf32>,
    %slice3A_196 = vector.extract_strided_slice %convert_element_type3A {offsets = [0, 6144], sizes = [64, 1024], strides = [1, 1]} : vector<64x32768xbf16> to vector<64x1024xbf16>
    %dot_general3A_197 = arith.constant dense<0.000000e+00> : vector<1024x64xf32>
    %dot_general3A_198 = tpu.matmul %slice3A_196, %convert_element_type3A_5, %dot_general3A_197 {dimension_numbers = #tpu.dot_dimension_numbers<[0], [0], [1], [1], [0, 1, 1, 1], [], []>, transpose_lhs_hint = false} : vector<64x1024xbf16>, vector<64x64xbf16>, vector<1024x64xf32> -> vector<1024x64xf32>
    %bitcast_convert_type3A_199 = tpu.bitcast %dot_general3A_198 : vector<1024x64xf32> -> vector<1024x64xi32>
    %shift_right_arithmetic3A_200 = arith.constant 16 : i32
    %shift_right_arithmetic3A_201 = vector.broadcast %shift_right_arithmetic3A_200 : i32 to vector<1024x64xi32>
    %shift_right_arithmetic3A_202 = arith.shrsi %bitcast_convert_type3A_199, %shift_right_arithmetic3A_201 : vector<1024x64xi32>
    %slice3A_203 = vector.extract_strided_slice %shift_right_arithmetic3A_202 {offsets = [0, 0], sizes = [256, 64], strides = [1, 1]} : vector<1024x64xi32> to vector<256x64xi32>
    %and3A_204 = arith.constant 65535 : i32
    %and3A_205 = vector.broadcast %and3A_204 : i32 to vector<256x64xi32>
    %and3A_206 = arith.andi %slice3A_203, %and3A_205 : vector<256x64xi32>
    %slice3A_207 = vector.extract_strided_slice %shift_right_arithmetic3A_202 {offsets = [256, 0], sizes = [256, 64], strides = [1, 1]} : vector<1024x64xi32> to vector<256x64xi32>
    %shift_left3A_208 = arith.constant 16 : i32
    %shift_left3A_209 = vector.broadcast %shift_left3A_208 : i32 to vector<256x64xi32>
    %shift_left3A_210 = arith.shli %slice3A_207, %shift_left3A_209 : vector<256x64xi32>
    %or3A_211 = arith.ori %and3A_206, %shift_left3A_210 : vector<256x64xi32>
    %slice3A_212 = vector.extract_strided_slice %shift_right_arithmetic3A_202 {offsets = [512, 0], sizes = [256, 64], strides = [1, 1]} : vector<1024x64xi32> to vector<256x64xi32>
    %and3A_213 = arith.constant 65535 : i32
    %and3A_214 = vector.broadcast %and3A_213 : i32 to vector<256x64xi32>
    %and3A_215 = arith.andi %slice3A_212, %and3A_214 : vector<256x64xi32>
    %slice3A_216 = vector.extract_strided_slice %shift_right_arithmetic3A_202 {offsets = [768, 0], sizes = [256, 64], strides = [1, 1]} : vector<1024x64xi32> to vector<256x64xi32>
    %shift_left3A_217 = arith.constant 16 : i32
    %shift_left3A_218 = vector.broadcast %shift_left3A_217 : i32 to vector<256x64xi32>
    %shift_left3A_219 = arith.shli %slice3A_216, %shift_left3A_218 : vector<256x64xi32>
    %or3A_220 = arith.ori %and3A_215, %shift_left3A_219 : vector<256x64xi32>
    %bitcast_convert_type3A_221 = tpu.bitcast %or3A_211 : vector<256x64xi32> -> vector<256x64xf32>
    %swap3A_222 = arith.constant 1536 : index
    %swap3A_223 = arith.constant 0 : index
    %swap3A_224 = vector.load %arg3[%swap3A_222, %swap3A_223] : memref<8192x128xf32, #tpu.memory_space<vmem>>, vector<256x64xf32>
    tpu.vector_store %arg3[%swap3A_222, %swap3A_223], %bitcast_convert_type3A_221 {strides = array<i32>} : memref<8192x128xf32, #tpu.memory_space<vmem>>, vector<256x64xf32>,
    %bitcast_convert_type3A_225 = tpu.bitcast %or3A_220 : vector<256x64xi32> -> vector<256x64xf32>
    %swap3A_226 = arith.constant 1536 : index
    %swap3A_227 = arith.constant 64 : index
    %swap3A_228 = vector.load %arg3[%swap3A_226, %swap3A_227] : memref<8192x128xf32, #tpu.memory_space<vmem>>, vector<256x64xf32>
    tpu.vector_store %arg3[%swap3A_226, %swap3A_227], %bitcast_convert_type3A_225 {strides = array<i32>} : memref<8192x128xf32, #tpu.memory_space<vmem>>, vector<256x64xf32>,
    %slice3A_229 = vector.extract_strided_slice %convert_element_type3A {offsets = [0, 7168], sizes = [64, 1024], strides = [1, 1]} : vector<64x32768xbf16> to vector<64x1024xbf16>
    %dot_general3A_230 = arith.constant dense<0.000000e+00> : vector<1024x64xf32>
    %dot_general3A_231 = tpu.matmul %slice3A_229, %convert_element_type3A_5, %dot_general3A_230 {dimension_numbers = #tpu.dot_dimension_numbers<[0], [0], [1], [1], [0, 1, 1, 1], [], []>, transpose_lhs_hint = false} : vector<64x1024xbf16>, vector<64x64xbf16>, vector<1024x64xf32> -> vector<1024x64xf32>
    %bitcast_convert_type3A_232 = tpu.bitcast %dot_general3A_231 : vector<1024x64xf32> -> vector<1024x64xi32>
    %shift_right_arithmetic3A_233 = arith.constant 16 : i32
    %shift_right_arithmetic3A_234 = vector.broadcast %shift_right_arithmetic3A_233 : i32 to vector<1024x64xi32>
    %shift_right_arithmetic3A_235 = arith.shrsi %bitcast_convert_type3A_232, %shift_right_arithmetic3A_234 : vector<1024x64xi32>
    %slice3A_236 = vector.extract_strided_slice %shift_right_arithmetic3A_235 {offsets = [0, 0], sizes = [256, 64], strides = [1, 1]} : vector<1024x64xi32> to vector<256x64xi32>
    %and3A_237 = arith.constant 65535 : i32
    %and3A_238 = vector.broadcast %and3A_237 : i32 to vector<256x64xi32>
    %and3A_239 = arith.andi %slice3A_236, %and3A_238 : vector<256x64xi32>
    %slice3A_240 = vector.extract_strided_slice %shift_right_arithmetic3A_235 {offsets = [256, 0], sizes = [256, 64], strides = [1, 1]} : vector<1024x64xi32> to vector<256x64xi32>
    %shift_left3A_241 = arith.constant 16 : i32
    %shift_left3A_242 = vector.broadcast %shift_left3A_241 : i32 to vector<256x64xi32>
    %shift_left3A_243 = arith.shli %slice3A_240, %shift_left3A_242 : vector<256x64xi32>
    %or3A_244 = arith.ori %and3A_239, %shift_left3A_243 : vector<256x64xi32>
    %slice3A_245 = vector.extract_strided_slice %shift_right_arithmetic3A_235 {offsets = [512, 0], sizes = [256, 64], strides = [1, 1]} : vector<1024x64xi32> to vector<256x64xi32>
    %and3A_246 = arith.constant 65535 : i32
    %and3A_247 = vector.broadcast %and3A_246 : i32 to vector<256x64xi32>
    %and3A_248 = arith.andi %slice3A_245, %and3A_247 : vector<256x64xi32>
    %slice3A_249 = vector.extract_strided_slice %shift_right_arithmetic3A_235 {offsets = [768, 0], sizes = [256, 64], strides = [1, 1]} : vector<1024x64xi32> to vector<256x64xi32>
    %shift_left3A_250 = arith.constant 16 : i32
    %shift_left3A_251 = vector.broadcast %shift_left3A_250 : i32 to vector<256x64xi32>
    %shift_left3A_252 = arith.shli %slice3A_249, %shift_left3A_251 : vector<256x64xi32>
    %or3A_253 = arith.ori %and3A_248, %shift_left3A_252 : vector<256x64xi32>
    %bitcast_convert_type3A_254 = tpu.bitcast %or3A_244 : vector<256x64xi32> -> vector<256x64xf32>
    %swap3A_255 = arith.constant 1792 : index
    %swap3A_256 = arith.constant 0 : index
    %swap3A_257 = vector.load %arg3[%swap3A_255, %swap3A_256] : memref<8192x128xf32, #tpu.memory_space<vmem>>, vector<256x64xf32>
    tpu.vector_store %arg3[%swap3A_255, %swap3A_256], %bitcast_convert_type3A_254 {strides = array<i32>} : memref<8192x128xf32, #tpu.memory_space<vmem>>, vector<256x64xf32>,
    %bitcast_convert_type3A_258 = tpu.bitcast %or3A_253 : vector<256x64xi32> -> vector<256x64xf32>
    %swap3A_259 = arith.constant 1792 : index
    %swap3A_260 = arith.constant 64 : index
    %swap3A_261 = vector.load %arg3[%swap3A_259, %swap3A_260] : memref<8192x128xf32, #tpu.memory_space<vmem>>, vector<256x64xf32>
    tpu.vector_store %arg3[%swap3A_259, %swap3A_260], %bitcast_convert_type3A_258 {strides = array<i32>} : memref<8192x128xf32, #tpu.memory_space<vmem>>, vector<256x64xf32>,
    %slice3A_262 = vector.extract_strided_slice %convert_element_type3A {offsets = [0, 8192], sizes = [64, 1024], strides = [1, 1]} : vector<64x32768xbf16> to vector<64x1024xbf16>
    %dot_general3A_263 = arith.constant dense<0.000000e+00> : vector<1024x64xf32>
    %dot_general3A_264 = tpu.matmul %slice3A_262, %convert_element_type3A_5, %dot_general3A_263 {dimension_numbers = #tpu.dot_dimension_numbers<[0], [0], [1], [1], [0, 1, 1, 1], [], []>, transpose_lhs_hint = false} : vector<64x1024xbf16>, vector<64x64xbf16>, vector<1024x64xf32> -> vector<1024x64xf32>
    %bitcast_convert_type3A_265 = tpu.bitcast %dot_general3A_264 : vector<1024x64xf32> -> vector<1024x64xi32>
    %shift_right_arithmetic3A_266 = arith.constant 16 : i32
    %shift_right_arithmetic3A_267 = vector.broadcast %shift_right_arithmetic3A_266 : i32 to vector<1024x64xi32>
    %shift_right_arithmetic3A_268 = arith.shrsi %bitcast_convert_type3A_265, %shift_right_arithmetic3A_267 : vector<1024x64xi32>
    %slice3A_269 = vector.extract_strided_slice %shift_right_arithmetic3A_268 {offsets = [0, 0], sizes = [256, 64], strides = [1, 1]} : vector<1024x64xi32> to vector<256x64xi32>
    %and3A_270 = arith.constant 65535 : i32
    %and3A_271 = vector.broadcast %and3A_270 : i32 to vector<256x64xi32>
    %and3A_272 = arith.andi %slice3A_269, %and3A_271 : vector<256x64xi32>
    %slice3A_273 = vector.extract_strided_slice %shift_right_arithmetic3A_268 {offsets = [256, 0], sizes = [256, 64], strides = [1, 1]} : vector<1024x64xi32> to vector<256x64xi32>
    %shift_left3A_274 = arith.constant 16 : i32
    %shift_left3A_275 = vector.broadcast %shift_left3A_274 : i32 to vector<256x64xi32>
    %shift_left3A_276 = arith.shli %slice3A_273, %shift_left3A_275 : vector<256x64xi32>
    %or3A_277 = arith.ori %and3A_272, %shift_left3A_276 : vector<256x64xi32>
    %slice3A_278 = vector.extract_strided_slice %shift_right_arithmetic3A_268 {offsets = [512, 0], sizes = [256, 64], strides = [1, 1]} : vector<1024x64xi32> to vector<256x64xi32>
    %and3A_279 = arith.constant 65535 : i32
    %and3A_280 = vector.broadcast %and3A_279 : i32 to vector<256x64xi32>
    %and3A_281 = arith.andi %slice3A_278, %and3A_280 : vector<256x64xi32>
    %slice3A_282 = vector.extract_strided_slice %shift_right_arithmetic3A_268 {offsets = [768, 0], sizes = [256, 64], strides = [1, 1]} : vector<1024x64xi32> to vector<256x64xi32>
    %shift_left3A_283 = arith.constant 16 : i32
    %shift_left3A_284 = vector.broadcast %shift_left3A_283 : i32 to vector<256x64xi32>
    %shift_left3A_285 = arith.shli %slice3A_282, %shift_left3A_284 : vector<256x64xi32>
    %or3A_286 = arith.ori %and3A_281, %shift_left3A_285 : vector<256x64xi32>
    %bitcast_convert_type3A_287 = tpu.bitcast %or3A_277 : vector<256x64xi32> -> vector<256x64xf32>
    %swap3A_288 = arith.constant 2048 : index
    %swap3A_289 = arith.constant 0 : index
    %swap3A_290 = vector.load %arg3[%swap3A_288, %swap3A_289] : memref<8192x128xf32, #tpu.memory_space<vmem>>, vector<256x64xf32>
    tpu.vector_store %arg3[%swap3A_288, %swap3A_289], %bitcast_convert_type3A_287 {strides = array<i32>} : memref<8192x128xf32, #tpu.memory_space<vmem>>, vector<256x64xf32>,
    %bitcast_convert_type3A_291 = tpu.bitcast %or3A_286 : vector<256x64xi32> -> vector<256x64xf32>
    %swap3A_292 = arith.constant 2048 : index
    %swap3A_293 = arith.constant 64 : index
    %swap3A_294 = vector.load %arg3[%swap3A_292, %swap3A_293] : memref<8192x128xf32, #tpu.memory_space<vmem>>, vector<256x64xf32>
    tpu.vector_store %arg3[%swap3A_292, %swap3A_293], %bitcast_convert_type3A_291 {strides = array<i32>} : memref<8192x128xf32, #tpu.memory_space<vmem>>, vector<256x64xf32>,
    %slice3A_295 = vector.extract_strided_slice %convert_element_type3A {offsets = [0, 9216], sizes = [64, 1024], strides = [1, 1]} : vector<64x32768xbf16> to vector<64x1024xbf16>
    %dot_general3A_296 = arith.constant dense<0.000000e+00> : vector<1024x64xf32>
    %dot_general3A_297 = tpu.matmul %slice3A_295, %convert_element_type3A_5, %dot_general3A_296 {dimension_numbers = #tpu.dot_dimension_numbers<[0], [0], [1], [1], [0, 1, 1, 1], [], []>, transpose_lhs_hint = false} : vector<64x1024xbf16>, vector<64x64xbf16>, vector<1024x64xf32> -> vector<1024x64xf32>
    %bitcast_convert_type3A_298 = tpu.bitcast %dot_general3A_297 : vector<1024x64xf32> -> vector<1024x64xi32>
    %shift_right_arithmetic3A_299 = arith.constant 16 : i32
    %shift_right_arithmetic3A_300 = vector.broadcast %shift_right_arithmetic3A_299 : i32 to vector<1024x64xi32>
    %shift_right_arithmetic3A_301 = arith.shrsi %bitcast_convert_type3A_298, %shift_right_arithmetic3A_300 : vector<1024x64xi32>
    %slice3A_302 = vector.extract_strided_slice %shift_right_arithmetic3A_301 {offsets = [0, 0], sizes = [256, 64], strides = [1, 1]} : vector<1024x64xi32> to vector<256x64xi32>
    %and3A_303 = arith.constant 65535 : i32
    %and3A_304 = vector.broadcast %and3A_303 : i32 to vector<256x64xi32>
    %and3A_305 = arith.andi %slice3A_302, %and3A_304 : vector<256x64xi32>
    %slice3A_306 = vector.extract_strided_slice %shift_right_arithmetic3A_301 {offsets = [256, 0], sizes = [256, 64], strides = [1, 1]} : vector<1024x64xi32> to vector<256x64xi32>
    %shift_left3A_307 = arith.constant 16 : i32
    %shift_left3A_308 = vector.broadcast %shift_left3A_307 : i32 to vector<256x64xi32>
    %shift_left3A_309 = arith.shli %slice3A_306, %shift_left3A_308 : vector<256x64xi32>
    %or3A_310 = arith.ori %and3A_305, %shift_left3A_309 : vector<256x64xi32>
    %slice3A_311 = vector.extract_strided_slice %shift_right_arithmetic3A_301 {offsets = [512, 0], sizes = [256, 64], strides = [1, 1]} : vector<1024x64xi32> to vector<256x64xi32>
    %and3A_312 = arith.constant 65535 : i32
    %and3A_313 = vector.broadcast %and3A_312 : i32 to vector<256x64xi32>
    %and3A_314 = arith.andi %slice3A_311, %and3A_313 : vector<256x64xi32>
    %slice3A_315 = vector.extract_strided_slice %shift_right_arithmetic3A_301 {offsets = [768, 0], sizes = [256, 64], strides = [1, 1]} : vector<1024x64xi32> to vector<256x64xi32>
    %shift_left3A_316 = arith.constant 16 : i32
    %shift_left3A_317 = vector.broadcast %shift_left3A_316 : i32 to vector<256x64xi32>
    %shift_left3A_318 = arith.shli %slice3A_315, %shift_left3A_317 : vector<256x64xi32>
    %or3A_319 = arith.ori %and3A_314, %shift_left3A_318 : vector<256x64xi32>
    %bitcast_convert_type3A_320 = tpu.bitcast %or3A_310 : vector<256x64xi32> -> vector<256x64xf32>
    %swap3A_321 = arith.constant 2304 : index
    %swap3A_322 = arith.constant 0 : index
    %swap3A_323 = vector.load %arg3[%swap3A_321, %swap3A_322] : memref<8192x128xf32, #tpu.memory_space<vmem>>, vector<256x64xf32>
    tpu.vector_store %arg3[%swap3A_321, %swap3A_322], %bitcast_convert_type3A_320 {strides = array<i32>} : memref<8192x128xf32, #tpu.memory_space<vmem>>, vector<256x64xf32>,
    %bitcast_convert_type3A_324 = tpu.bitcast %or3A_319 : vector<256x64xi32> -> vector<256x64xf32>
    %swap3A_325 = arith.constant 2304 : index
    %swap3A_326 = arith.constant 64 : index
    %swap3A_327 = vector.load %arg3[%swap3A_325, %swap3A_326] : memref<8192x128xf32, #tpu.memory_space<vmem>>, vector<256x64xf32>
    tpu.vector_store %arg3[%swap3A_325, %swap3A_326], %bitcast_convert_type3A_324 {strides = array<i32>} : memref<8192x128xf32, #tpu.memory_space<vmem>>, vector<256x64xf32>,
    %slice3A_328 = vector.extract_strided_slice %convert_element_type3A {offsets = [0, 10240], sizes = [64, 1024], strides = [1, 1]} : vector<64x32768xbf16> to vector<64x1024xbf16>
    %dot_general3A_329 = arith.constant dense<0.000000e+00> : vector<1024x64xf32>
    %dot_general3A_330 = tpu.matmul %slice3A_328, %convert_element_type3A_5, %dot_general3A_329 {dimension_numbers = #tpu.dot_dimension_numbers<[0], [0], [1], [1], [0, 1, 1, 1], [], []>, transpose_lhs_hint = false} : vector<64x1024xbf16>, vector<64x64xbf16>, vector<1024x64xf32> -> vector<1024x64xf32>
    %bitcast_convert_type3A_331 = tpu.bitcast %dot_general3A_330 : vector<1024x64xf32> -> vector<1024x64xi32>
    %shift_right_arithmetic3A_332 = arith.constant 16 : i32
    %shift_right_arithmetic3A_333 = vector.broadcast %shift_right_arithmetic3A_332 : i32 to vector<1024x64xi32>
    %shift_right_arithmetic3A_334 = arith.shrsi %bitcast_convert_type3A_331, %shift_right_arithmetic3A_333 : vector<1024x64xi32>
    %slice3A_335 = vector.extract_strided_slice %shift_right_arithmetic3A_334 {offsets = [0, 0], sizes = [256, 64], strides = [1, 1]} : vector<1024x64xi32> to vector<256x64xi32>
    %and3A_336 = arith.constant 65535 : i32
    %and3A_337 = vector.broadcast %and3A_336 : i32 to vector<256x64xi32>
    %and3A_338 = arith.andi %slice3A_335, %and3A_337 : vector<256x64xi32>
    %slice3A_339 = vector.extract_strided_slice %shift_right_arithmetic3A_334 {offsets = [256, 0], sizes = [256, 64], strides = [1, 1]} : vector<1024x64xi32> to vector<256x64xi32>
    %shift_left3A_340 = arith.constant 16 : i32
    %shift_left3A_341 = vector.broadcast %shift_left3A_340 : i32 to vector<256x64xi32>
    %shift_left3A_342 = arith.shli %slice3A_339, %shift_left3A_341 : vector<256x64xi32>
    %or3A_343 = arith.ori %and3A_338, %shift_left3A_342 : vector<256x64xi32>
    %slice3A_344 = vector.extract_strided_slice %shift_right_arithmetic3A_334 {offsets = [512, 0], sizes = [256, 64], strides = [1, 1]} : vector<1024x64xi32> to vector<256x64xi32>
    %and3A_345 = arith.constant 65535 : i32
    %and3A_346 = vector.broadcast %and3A_345 : i32 to vector<256x64xi32>
    %and3A_347 = arith.andi %slice3A_344, %and3A_346 : vector<256x64xi32>
    %slice3A_348 = vector.extract_strided_slice %shift_right_arithmetic3A_334 {offsets = [768, 0], sizes = [256, 64], strides = [1, 1]} : vector<1024x64xi32> to vector<256x64xi32>
    %shift_left3A_349 = arith.constant 16 : i32
    %shift_left3A_350 = vector.broadcast %shift_left3A_349 : i32 to vector<256x64xi32>
    %shift_left3A_351 = arith.shli %slice3A_348, %shift_left3A_350 : vector<256x64xi32>
    %or3A_352 = arith.ori %and3A_347, %shift_left3A_351 : vector<256x64xi32>
    %bitcast_convert_type3A_353 = tpu.bitcast %or3A_343 : vector<256x64xi32> -> vector<256x64xf32>
    %swap3A_354 = arith.constant 2560 : index
    %swap3A_355 = arith.constant 0 : index
    %swap3A_356 = vector.load %arg3[%swap3A_354, %swap3A_355] : memref<8192x128xf32, #tpu.memory_space<vmem>>, vector<256x64xf32>
    tpu.vector_store %arg3[%swap3A_354, %swap3A_355], %bitcast_convert_type3A_353 {strides = array<i32>} : memref<8192x128xf32, #tpu.memory_space<vmem>>, vector<256x64xf32>,
    %bitcast_convert_type3A_357 = tpu.bitcast %or3A_352 : vector<256x64xi32> -> vector<256x64xf32>
    %swap3A_358 = arith.constant 2560 : index
    %swap3A_359 = arith.constant 64 : index
    %swap3A_360 = vector.load %arg3[%swap3A_358, %swap3A_359] : memref<8192x128xf32, #tpu.memory_space<vmem>>, vector<256x64xf32>
    tpu.vector_store %arg3[%swap3A_358, %swap3A_359], %bitcast_convert_type3A_357 {strides = array<i32>} : memref<8192x128xf32, #tpu.memory_space<vmem>>, vector<256x64xf32>,
    %slice3A_361 = vector.extract_strided_slice %convert_element_type3A {offsets = [0, 11264], sizes = [64, 1024], strides = [1, 1]} : vector<64x32768xbf16> to vector<64x1024xbf16>
    %dot_general3A_362 = arith.constant dense<0.000000e+00> : vector<1024x64xf32>
    %dot_general3A_363 = tpu.matmul %slice3A_361, %convert_element_type3A_5, %dot_general3A_362 {dimension_numbers = #tpu.dot_dimension_numbers<[0], [0], [1], [1], [0, 1, 1, 1], [], []>, transpose_lhs_hint = false} : vector<64x1024xbf16>, vector<64x64xbf16>, vector<1024x64xf32> -> vector<1024x64xf32>
    %bitcast_convert_type3A_364 = tpu.bitcast %dot_general3A_363 : vector<1024x64xf32> -> vector<1024x64xi32>
    %shift_right_arithmetic3A_365 = arith.constant 16 : i32
    %shift_right_arithmetic3A_366 = vector.broadcast %shift_right_arithmetic3A_365 : i32 to vector<1024x64xi32>
    %shift_right_arithmetic3A_367 = arith.shrsi %bitcast_convert_type3A_364, %shift_right_arithmetic3A_366 : vector<1024x64xi32>
    %slice3A_368 = vector.extract_strided_slice %shift_right_arithmetic3A_367 {offsets = [0, 0], sizes = [256, 64], strides = [1, 1]} : vector<1024x64xi32> to vector<256x64xi32>
    %and3A_369 = arith.constant 65535 : i32
    %and3A_370 = vector.broadcast %and3A_369 : i32 to vector<256x64xi32>
    %and3A_371 = arith.andi %slice3A_368, %and3A_370 : vector<256x64xi32>
    %slice3A_372 = vector.extract_strided_slice %shift_right_arithmetic3A_367 {offsets = [256, 0], sizes = [256, 64], strides = [1, 1]} : vector<1024x64xi32> to vector<256x64xi32>
    %shift_left3A_373 = arith.constant 16 : i32
    %shift_left3A_374 = vector.broadcast %shift_left3A_373 : i32 to vector<256x64xi32>
    %shift_left3A_375 = arith.shli %slice3A_372, %shift_left3A_374 : vector<256x64xi32>
    %or3A_376 = arith.ori %and3A_371, %shift_left3A_375 : vector<256x64xi32>
    %slice3A_377 = vector.extract_strided_slice %shift_right_arithmetic3A_367 {offsets = [512, 0], sizes = [256, 64], strides = [1, 1]} : vector<1024x64xi32> to vector<256x64xi32>
    %and3A_378 = arith.constant 65535 : i32
    %and3A_379 = vector.broadcast %and3A_378 : i32 to vector<256x64xi32>
    %and3A_380 = arith.andi %slice3A_377, %and3A_379 : vector<256x64xi32>
    %slice3A_381 = vector.extract_strided_slice %shift_right_arithmetic3A_367 {offsets = [768, 0], sizes = [256, 64], strides = [1, 1]} : vector<1024x64xi32> to vector<256x64xi32>
    %shift_left3A_382 = arith.constant 16 : i32
    %shift_left3A_383 = vector.broadcast %shift_left3A_382 : i32 to vector<256x64xi32>
    %shift_left3A_384 = arith.shli %slice3A_381, %shift_left3A_383 : vector<256x64xi32>
    %or3A_385 = arith.ori %and3A_380, %shift_left3A_384 : vector<256x64xi32>
    %bitcast_convert_type3A_386 = tpu.bitcast %or3A_376 : vector<256x64xi32> -> vector<256x64xf32>
    %swap3A_387 = arith.constant 2816 : index
    %swap3A_388 = arith.constant 0 : index
    %swap3A_389 = vector.load %arg3[%swap3A_387, %swap3A_388] : memref<8192x128xf32, #tpu.memory_space<vmem>>, vector<256x64xf32>
    tpu.vector_store %arg3[%swap3A_387, %swap3A_388], %bitcast_convert_type3A_386 {strides = array<i32>} : memref<8192x128xf32, #tpu.memory_space<vmem>>, vector<256x64xf32>,
    %bitcast_convert_type3A_390 = tpu.bitcast %or3A_385 : vector<256x64xi32> -> vector<256x64xf32>
    %swap3A_391 = arith.constant 2816 : index
    %swap3A_392 = arith.constant 64 : index
    %swap3A_393 = vector.load %arg3[%swap3A_391, %swap3A_392] : memref<8192x128xf32, #tpu.memory_space<vmem>>, vector<256x64xf32>
    tpu.vector_store %arg3[%swap3A_391, %swap3A_392], %bitcast_convert_type3A_390 {strides = array<i32>} : memref<8192x128xf32, #tpu.memory_space<vmem>>, vector<256x64xf32>,
    %slice3A_394 = vector.extract_strided_slice %convert_element_type3A {offsets = [0, 12288], sizes = [64, 1024], strides = [1, 1]} : vector<64x32768xbf16> to vector<64x1024xbf16>
    %dot_general3A_395 = arith.constant dense<0.000000e+00> : vector<1024x64xf32>
    %dot_general3A_396 = tpu.matmul %slice3A_394, %convert_element_type3A_5, %dot_general3A_395 {dimension_numbers = #tpu.dot_dimension_numbers<[0], [0], [1], [1], [0, 1, 1, 1], [], []>, transpose_lhs_hint = false} : vector<64x1024xbf16>, vector<64x64xbf16>, vector<1024x64xf32> -> vector<1024x64xf32>
    %bitcast_convert_type3A_397 = tpu.bitcast %dot_general3A_396 : vector<1024x64xf32> -> vector<1024x64xi32>
    %shift_right_arithmetic3A_398 = arith.constant 16 : i32
    %shift_right_arithmetic3A_399 = vector.broadcast %shift_right_arithmetic3A_398 : i32 to vector<1024x64xi32>
    %shift_right_arithmetic3A_400 = arith.shrsi %bitcast_convert_type3A_397, %shift_right_arithmetic3A_399 : vector<1024x64xi32>
    %slice3A_401 = vector.extract_strided_slice %shift_right_arithmetic3A_400 {offsets = [0, 0], sizes = [256, 64], strides = [1, 1]} : vector<1024x64xi32> to vector<256x64xi32>
    %and3A_402 = arith.constant 65535 : i32
    %and3A_403 = vector.broadcast %and3A_402 : i32 to vector<256x64xi32>
    %and3A_404 = arith.andi %slice3A_401, %and3A_403 : vector<256x64xi32>
    %slice3A_405 = vector.extract_strided_slice %shift_right_arithmetic3A_400 {offsets = [256, 0], sizes = [256, 64], strides = [1, 1]} : vector<1024x64xi32> to vector<256x64xi32>
    %shift_left3A_406 = arith.constant 16 : i32
    %shift_left3A_407 = vector.broadcast %shift_left3A_406 : i32 to vector<256x64xi32>
    %shift_left3A_408 = arith.shli %slice3A_405, %shift_left3A_407 : vector<256x64xi32>
    %or3A_409 = arith.ori %and3A_404, %shift_left3A_408 : vector<256x64xi32>
    %slice3A_410 = vector.extract_strided_slice %shift_right_arithmetic3A_400 {offsets = [512, 0], sizes = [256, 64], strides = [1, 1]} : vector<1024x64xi32> to vector<256x64xi32>
    %and3A_411 = arith.constant 65535 : i32
    %and3A_412 = vector.broadcast %and3A_411 : i32 to vector<256x64xi32>
    %and3A_413 = arith.andi %slice3A_410, %and3A_412 : vector<256x64xi32>
    %slice3A_414 = vector.extract_strided_slice %shift_right_arithmetic3A_400 {offsets = [768, 0], sizes = [256, 64], strides = [1, 1]} : vector<1024x64xi32> to vector<256x64xi32>
    %shift_left3A_415 = arith.constant 16 : i32
    %shift_left3A_416 = vector.broadcast %shift_left3A_415 : i32 to vector<256x64xi32>
    %shift_left3A_417 = arith.shli %slice3A_414, %shift_left3A_416 : vector<256x64xi32>
    %or3A_418 = arith.ori %and3A_413, %shift_left3A_417 : vector<256x64xi32>
    %bitcast_convert_type3A_419 = tpu.bitcast %or3A_409 : vector<256x64xi32> -> vector<256x64xf32>
    %swap3A_420 = arith.constant 3072 : index
    %swap3A_421 = arith.constant 0 : index
    %swap3A_422 = vector.load %arg3[%swap3A_420, %swap3A_421] : memref<8192x128xf32, #tpu.memory_space<vmem>>, vector<256x64xf32>
    tpu.vector_store %arg3[%swap3A_420, %swap3A_421], %bitcast_convert_type3A_419 {strides = array<i32>} : memref<8192x128xf32, #tpu.memory_space<vmem>>, vector<256x64xf32>,
    %bitcast_convert_type3A_423 = tpu.bitcast %or3A_418 : vector<256x64xi32> -> vector<256x64xf32>
    %swap3A_424 = arith.constant 3072 : index
    %swap3A_425 = arith.constant 64 : index
    %swap3A_426 = vector.load %arg3[%swap3A_424, %swap3A_425] : memref<8192x128xf32, #tpu.memory_space<vmem>>, vector<256x64xf32>
    tpu.vector_store %arg3[%swap3A_424, %swap3A_425], %bitcast_convert_type3A_423 {strides = array<i32>} : memref<8192x128xf32, #tpu.memory_space<vmem>>, vector<256x64xf32>,
    %slice3A_427 = vector.extract_strided_slice %convert_element_type3A {offsets = [0, 13312], sizes = [64, 1024], strides = [1, 1]} : vector<64x32768xbf16> to vector<64x1024xbf16>
    %dot_general3A_428 = arith.constant dense<0.000000e+00> : vector<1024x64xf32>
    %dot_general3A_429 = tpu.matmul %slice3A_427, %convert_element_type3A_5, %dot_general3A_428 {dimension_numbers = #tpu.dot_dimension_numbers<[0], [0], [1], [1], [0, 1, 1, 1], [], []>, transpose_lhs_hint = false} : vector<64x1024xbf16>, vector<64x64xbf16>, vector<1024x64xf32> -> vector<1024x64xf32>
    %bitcast_convert_type3A_430 = tpu.bitcast %dot_general3A_429 : vector<1024x64xf32> -> vector<1024x64xi32>
    %shift_right_arithmetic3A_431 = arith.constant 16 : i32
    %shift_right_arithmetic3A_432 = vector.broadcast %shift_right_arithmetic3A_431 : i32 to vector<1024x64xi32>
    %shift_right_arithmetic3A_433 = arith.shrsi %bitcast_convert_type3A_430, %shift_right_arithmetic3A_432 : vector<1024x64xi32>
    %slice3A_434 = vector.extract_strided_slice %shift_right_arithmetic3A_433 {offsets = [0, 0], sizes = [256, 64], strides = [1, 1]} : vector<1024x64xi32> to vector<256x64xi32>
    %and3A_435 = arith.constant 65535 : i32
    %and3A_436 = vector.broadcast %and3A_435 : i32 to vector<256x64xi32>
    %and3A_437 = arith.andi %slice3A_434, %and3A_436 : vector<256x64xi32>
    %slice3A_438 = vector.extract_strided_slice %shift_right_arithmetic3A_433 {offsets = [256, 0], sizes = [256, 64], strides = [1, 1]} : vector<1024x64xi32> to vector<256x64xi32>
    %shift_left3A_439 = arith.constant 16 : i32
    %shift_left3A_440 = vector.broadcast %shift_left3A_439 : i32 to vector<256x64xi32>
    %shift_left3A_441 = arith.shli %slice3A_438, %shift_left3A_440 : vector<256x64xi32>
    %or3A_442 = arith.ori %and3A_437, %shift_left3A_441 : vector<256x64xi32>
    %slice3A_443 = vector.extract_strided_slice %shift_right_arithmetic3A_433 {offsets = [512, 0], sizes = [256, 64], strides = [1, 1]} : vector<1024x64xi32> to vector<256x64xi32>
    %and3A_444 = arith.constant 65535 : i32
    %and3A_445 = vector.broadcast %and3A_444 : i32 to vector<256x64xi32>
    %and3A_446 = arith.andi %slice3A_443, %and3A_445 : vector<256x64xi32>
    %slice3A_447 = vector.extract_strided_slice %shift_right_arithmetic3A_433 {offsets = [768, 0], sizes = [256, 64], strides = [1, 1]} : vector<1024x64xi32> to vector<256x64xi32>
    %shift_left3A_448 = arith.constant 16 : i32
    %shift_left3A_449 = vector.broadcast %shift_left3A_448 : i32 to vector<256x64xi32>
    %shift_left3A_450 = arith.shli %slice3A_447, %shift_left3A_449 : vector<256x64xi32>
    %or3A_451 = arith.ori %and3A_446, %shift_left3A_450 : vector<256x64xi32>
    %bitcast_convert_type3A_452 = tpu.bitcast %or3A_442 : vector<256x64xi32> -> vector<256x64xf32>
    %swap3A_453 = arith.constant 3328 : index
    %swap3A_454 = arith.constant 0 : index
    %swap3A_455 = vector.load %arg3[%swap3A_453, %swap3A_454] : memref<8192x128xf32, #tpu.memory_space<vmem>>, vector<256x64xf32>
    tpu.vector_store %arg3[%swap3A_453, %swap3A_454], %bitcast_convert_type3A_452 {strides = array<i32>} : memref<8192x128xf32, #tpu.memory_space<vmem>>, vector<256x64xf32>,
    %bitcast_convert_type3A_456 = tpu.bitcast %or3A_451 : vector<256x64xi32> -> vector<256x64xf32>
    %swap3A_457 = arith.constant 3328 : index
    %swap3A_458 = arith.constant 64 : index
    %swap3A_459 = vector.load %arg3[%swap3A_457, %swap3A_458] : memref<8192x128xf32, #tpu.memory_space<vmem>>, vector<256x64xf32>
    tpu.vector_store %arg3[%swap3A_457, %swap3A_458], %bitcast_convert_type3A_456 {strides = array<i32>} : memref<8192x128xf32, #tpu.memory_space<vmem>>, vector<256x64xf32>,
    %slice3A_460 = vector.extract_strided_slice %convert_element_type3A {offsets = [0, 14336], sizes = [64, 1024], strides = [1, 1]} : vector<64x32768xbf16> to vector<64x1024xbf16>
    %dot_general3A_461 = arith.constant dense<0.000000e+00> : vector<1024x64xf32>
    %dot_general3A_462 = tpu.matmul %slice3A_460, %convert_element_type3A_5, %dot_general3A_461 {dimension_numbers = #tpu.dot_dimension_numbers<[0], [0], [1], [1], [0, 1, 1, 1], [], []>, transpose_lhs_hint = false} : vector<64x1024xbf16>, vector<64x64xbf16>, vector<1024x64xf32> -> vector<1024x64xf32>
    %bitcast_convert_type3A_463 = tpu.bitcast %dot_general3A_462 : vector<1024x64xf32> -> vector<1024x64xi32>
    %shift_right_arithmetic3A_464 = arith.constant 16 : i32
    %shift_right_arithmetic3A_465 = vector.broadcast %shift_right_arithmetic3A_464 : i32 to vector<1024x64xi32>
    %shift_right_arithmetic3A_466 = arith.shrsi %bitcast_convert_type3A_463, %shift_right_arithmetic3A_465 : vector<1024x64xi32>
    %slice3A_467 = vector.extract_strided_slice %shift_right_arithmetic3A_466 {offsets = [0, 0], sizes = [256, 64], strides = [1, 1]} : vector<1024x64xi32> to vector<256x64xi32>
    %and3A_468 = arith.constant 65535 : i32
    %and3A_469 = vector.broadcast %and3A_468 : i32 to vector<256x64xi32>
    %and3A_470 = arith.andi %slice3A_467, %and3A_469 : vector<256x64xi32>
    %slice3A_471 = vector.extract_strided_slice %shift_right_arithmetic3A_466 {offsets = [256, 0], sizes = [256, 64], strides = [1, 1]} : vector<1024x64xi32> to vector<256x64xi32>
    %shift_left3A_472 = arith.constant 16 : i32
    %shift_left3A_473 = vector.broadcast %shift_left3A_472 : i32 to vector<256x64xi32>
    %shift_left3A_474 = arith.shli %slice3A_471, %shift_left3A_473 : vector<256x64xi32>
    %or3A_475 = arith.ori %and3A_470, %shift_left3A_474 : vector<256x64xi32>
    %slice3A_476 = vector.extract_strided_slice %shift_right_arithmetic3A_466 {offsets = [512, 0], sizes = [256, 64], strides = [1, 1]} : vector<1024x64xi32> to vector<256x64xi32>
    %and3A_477 = arith.constant 65535 : i32
    %and3A_478 = vector.broadcast %and3A_477 : i32 to vector<256x64xi32>
    %and3A_479 = arith.andi %slice3A_476, %and3A_478 : vector<256x64xi32>
    %slice3A_480 = vector.extract_strided_slice %shift_right_arithmetic3A_466 {offsets = [768, 0], sizes = [256, 64], strides = [1, 1]} : vector<1024x64xi32> to vector<256x64xi32>
    %shift_left3A_481 = arith.constant 16 : i32
    %shift_left3A_482 = vector.broadcast %shift_left3A_481 : i32 to vector<256x64xi32>
    %shift_left3A_483 = arith.shli %slice3A_480, %shift_left3A_482 : vector<256x64xi32>
    %or3A_484 = arith.ori %and3A_479, %shift_left3A_483 : vector<256x64xi32>
    %bitcast_convert_type3A_485 = tpu.bitcast %or3A_475 : vector<256x64xi32> -> vector<256x64xf32>
    %swap3A_486 = arith.constant 3584 : index
    %swap3A_487 = arith.constant 0 : index
    %swap3A_488 = vector.load %arg3[%swap3A_486, %swap3A_487] : memref<8192x128xf32, #tpu.memory_space<vmem>>, vector<256x64xf32>
    tpu.vector_store %arg3[%swap3A_486, %swap3A_487], %bitcast_convert_type3A_485 {strides = array<i32>} : memref<8192x128xf32, #tpu.memory_space<vmem>>, vector<256x64xf32>,
    %bitcast_convert_type3A_489 = tpu.bitcast %or3A_484 : vector<256x64xi32> -> vector<256x64xf32>
    %swap3A_490 = arith.constant 3584 : index
    %swap3A_491 = arith.constant 64 : index
    %swap3A_492 = vector.load %arg3[%swap3A_490, %swap3A_491] : memref<8192x128xf32, #tpu.memory_space<vmem>>, vector<256x64xf32>
    tpu.vector_store %arg3[%swap3A_490, %swap3A_491], %bitcast_convert_type3A_489 {strides = array<i32>} : memref<8192x128xf32, #tpu.memory_space<vmem>>, vector<256x64xf32>,
    %slice3A_493 = vector.extract_strided_slice %convert_element_type3A {offsets = [0, 15360], sizes = [64, 1024], strides = [1, 1]} : vector<64x32768xbf16> to vector<64x1024xbf16>
    %dot_general3A_494 = arith.constant dense<0.000000e+00> : vector<1024x64xf32>
    %dot_general3A_495 = tpu.matmul %slice3A_493, %convert_element_type3A_5, %dot_general3A_494 {dimension_numbers = #tpu.dot_dimension_numbers<[0], [0], [1], [1], [0, 1, 1, 1], [], []>, transpose_lhs_hint = false} : vector<64x1024xbf16>, vector<64x64xbf16>, vector<1024x64xf32> -> vector<1024x64xf32>
    %bitcast_convert_type3A_496 = tpu.bitcast %dot_general3A_495 : vector<1024x64xf32> -> vector<1024x64xi32>
    %shift_right_arithmetic3A_497 = arith.constant 16 : i32
    %shift_right_arithmetic3A_498 = vector.broadcast %shift_right_arithmetic3A_497 : i32 to vector<1024x64xi32>
    %shift_right_arithmetic3A_499 = arith.shrsi %bitcast_convert_type3A_496, %shift_right_arithmetic3A_498 : vector<1024x64xi32>
    %slice3A_500 = vector.extract_strided_slice %shift_right_arithmetic3A_499 {offsets = [0, 0], sizes = [256, 64], strides = [1, 1]} : vector<1024x64xi32> to vector<256x64xi32>
    %and3A_501 = arith.constant 65535 : i32
    %and3A_502 = vector.broadcast %and3A_501 : i32 to vector<256x64xi32>
    %and3A_503 = arith.andi %slice3A_500, %and3A_502 : vector<256x64xi32>
    %slice3A_504 = vector.extract_strided_slice %shift_right_arithmetic3A_499 {offsets = [256, 0], sizes = [256, 64], strides = [1, 1]} : vector<1024x64xi32> to vector<256x64xi32>
    %shift_left3A_505 = arith.constant 16 : i32
    %shift_left3A_506 = vector.broadcast %shift_left3A_505 : i32 to vector<256x64xi32>
    %shift_left3A_507 = arith.shli %slice3A_504, %shift_left3A_506 : vector<256x64xi32>
    %or3A_508 = arith.ori %and3A_503, %shift_left3A_507 : vector<256x64xi32>
    %slice3A_509 = vector.extract_strided_slice %shift_right_arithmetic3A_499 {offsets = [512, 0], sizes = [256, 64], strides = [1, 1]} : vector<1024x64xi32> to vector<256x64xi32>
    %and3A_510 = arith.constant 65535 : i32
    %and3A_511 = vector.broadcast %and3A_510 : i32 to vector<256x64xi32>
    %and3A_512 = arith.andi %slice3A_509, %and3A_511 : vector<256x64xi32>
    %slice3A_513 = vector.extract_strided_slice %shift_right_arithmetic3A_499 {offsets = [768, 0], sizes = [256, 64], strides = [1, 1]} : vector<1024x64xi32> to vector<256x64xi32>
    %shift_left3A_514 = arith.constant 16 : i32
    %shift_left3A_515 = vector.broadcast %shift_left3A_514 : i32 to vector<256x64xi32>
    %shift_left3A_516 = arith.shli %slice3A_513, %shift_left3A_515 : vector<256x64xi32>
    %or3A_517 = arith.ori %and3A_512, %shift_left3A_516 : vector<256x64xi32>
    %bitcast_convert_type3A_518 = tpu.bitcast %or3A_508 : vector<256x64xi32> -> vector<256x64xf32>
    %swap3A_519 = arith.constant 3840 : index
    %swap3A_520 = arith.constant 0 : index
    %swap3A_521 = vector.load %arg3[%swap3A_519, %swap3A_520] : memref<8192x128xf32, #tpu.memory_space<vmem>>, vector<256x64xf32>
    tpu.vector_store %arg3[%swap3A_519, %swap3A_520], %bitcast_convert_type3A_518 {strides = array<i32>} : memref<8192x128xf32, #tpu.memory_space<vmem>>, vector<256x64xf32>,
    %bitcast_convert_type3A_522 = tpu.bitcast %or3A_517 : vector<256x64xi32> -> vector<256x64xf32>
    %swap3A_523 = arith.constant 3840 : index
    %swap3A_524 = arith.constant 64 : index
    %swap3A_525 = vector.load %arg3[%swap3A_523, %swap3A_524] : memref<8192x128xf32, #tpu.memory_space<vmem>>, vector<256x64xf32>
    tpu.vector_store %arg3[%swap3A_523, %swap3A_524], %bitcast_convert_type3A_522 {strides = array<i32>} : memref<8192x128xf32, #tpu.memory_space<vmem>>, vector<256x64xf32>,
    %slice3A_526 = vector.extract_strided_slice %convert_element_type3A {offsets = [0, 16384], sizes = [64, 1024], strides = [1, 1]} : vector<64x32768xbf16> to vector<64x1024xbf16>
    %dot_general3A_527 = arith.constant dense<0.000000e+00> : vector<1024x64xf32>
    %dot_general3A_528 = tpu.matmul %slice3A_526, %convert_element_type3A_5, %dot_general3A_527 {dimension_numbers = #tpu.dot_dimension_numbers<[0], [0], [1], [1], [0, 1, 1, 1], [], []>, transpose_lhs_hint = false} : vector<64x1024xbf16>, vector<64x64xbf16>, vector<1024x64xf32> -> vector<1024x64xf32>
    %bitcast_convert_type3A_529 = tpu.bitcast %dot_general3A_528 : vector<1024x64xf32> -> vector<1024x64xi32>
    %shift_right_arithmetic3A_530 = arith.constant 16 : i32
    %shift_right_arithmetic3A_531 = vector.broadcast %shift_right_arithmetic3A_530 : i32 to vector<1024x64xi32>
    %shift_right_arithmetic3A_532 = arith.shrsi %bitcast_convert_type3A_529, %shift_right_arithmetic3A_531 : vector<1024x64xi32>
    %slice3A_533 = vector.extract_strided_slice %shift_right_arithmetic3A_532 {offsets = [0, 0], sizes = [256, 64], strides = [1, 1]} : vector<1024x64xi32> to vector<256x64xi32>
    %and3A_534 = arith.constant 65535 : i32
    %and3A_535 = vector.broadcast %and3A_534 : i32 to vector<256x64xi32>
    %and3A_536 = arith.andi %slice3A_533, %and3A_535 : vector<256x64xi32>
    %slice3A_537 = vector.extract_strided_slice %shift_right_arithmetic3A_532 {offsets = [256, 0], sizes = [256, 64], strides = [1, 1]} : vector<1024x64xi32> to vector<256x64xi32>
    %shift_left3A_538 = arith.constant 16 : i32
    %shift_left3A_539 = vector.broadcast %shift_left3A_538 : i32 to vector<256x64xi32>
    %shift_left3A_540 = arith.shli %slice3A_537, %shift_left3A_539 : vector<256x64xi32>
    %or3A_541 = arith.ori %and3A_536, %shift_left3A_540 : vector<256x64xi32>
    %slice3A_542 = vector.extract_strided_slice %shift_right_arithmetic3A_532 {offsets = [512, 0], sizes = [256, 64], strides = [1, 1]} : vector<1024x64xi32> to vector<256x64xi32>
    %and3A_543 = arith.constant 65535 : i32
    %and3A_544 = vector.broadcast %and3A_543 : i32 to vector<256x64xi32>
    %and3A_545 = arith.andi %slice3A_542, %and3A_544 : vector<256x64xi32>
    %slice3A_546 = vector.extract_strided_slice %shift_right_arithmetic3A_532 {offsets = [768, 0], sizes = [256, 64], strides = [1, 1]} : vector<1024x64xi32> to vector<256x64xi32>
    %shift_left3A_547 = arith.constant 16 : i32
    %shift_left3A_548 = vector.broadcast %shift_left3A_547 : i32 to vector<256x64xi32>
    %shift_left3A_549 = arith.shli %slice3A_546, %shift_left3A_548 : vector<256x64xi32>
    %or3A_550 = arith.ori %and3A_545, %shift_left3A_549 : vector<256x64xi32>
    %bitcast_convert_type3A_551 = tpu.bitcast %or3A_541 : vector<256x64xi32> -> vector<256x64xf32>
    %swap3A_552 = arith.constant 4096 : index
    %swap3A_553 = arith.constant 0 : index
    %swap3A_554 = vector.load %arg3[%swap3A_552, %swap3A_553] : memref<8192x128xf32, #tpu.memory_space<vmem>>, vector<256x64xf32>
    tpu.vector_store %arg3[%swap3A_552, %swap3A_553], %bitcast_convert_type3A_551 {strides = array<i32>} : memref<8192x128xf32, #tpu.memory_space<vmem>>, vector<256x64xf32>,
    %bitcast_convert_type3A_555 = tpu.bitcast %or3A_550 : vector<256x64xi32> -> vector<256x64xf32>
    %swap3A_556 = arith.constant 4096 : index
    %swap3A_557 = arith.constant 64 : index
    %swap3A_558 = vector.load %arg3[%swap3A_556, %swap3A_557] : memref<8192x128xf32, #tpu.memory_space<vmem>>, vector<256x64xf32>
    tpu.vector_store %arg3[%swap3A_556, %swap3A_557], %bitcast_convert_type3A_555 {strides = array<i32>} : memref<8192x128xf32, #tpu.memory_space<vmem>>, vector<256x64xf32>,
    %slice3A_559 = vector.extract_strided_slice %convert_element_type3A {offsets = [0, 17408], sizes = [64, 1024], strides = [1, 1]} : vector<64x32768xbf16> to vector<64x1024xbf16>
    %dot_general3A_560 = arith.constant dense<0.000000e+00> : vector<1024x64xf32>
    %dot_general3A_561 = tpu.matmul %slice3A_559, %convert_element_type3A_5, %dot_general3A_560 {dimension_numbers = #tpu.dot_dimension_numbers<[0], [0], [1], [1], [0, 1, 1, 1], [], []>, transpose_lhs_hint = false} : vector<64x1024xbf16>, vector<64x64xbf16>, vector<1024x64xf32> -> vector<1024x64xf32>
    %bitcast_convert_type3A_562 = tpu.bitcast %dot_general3A_561 : vector<1024x64xf32> -> vector<1024x64xi32>
    %shift_right_arithmetic3A_563 = arith.constant 16 : i32
    %shift_right_arithmetic3A_564 = vector.broadcast %shift_right_arithmetic3A_563 : i32 to vector<1024x64xi32>
    %shift_right_arithmetic3A_565 = arith.shrsi %bitcast_convert_type3A_562, %shift_right_arithmetic3A_564 : vector<1024x64xi32>
    %slice3A_566 = vector.extract_strided_slice %shift_right_arithmetic3A_565 {offsets = [0, 0], sizes = [256, 64], strides = [1, 1]} : vector<1024x64xi32> to vector<256x64xi32>
    %and3A_567 = arith.constant 65535 : i32
    %and3A_568 = vector.broadcast %and3A_567 : i32 to vector<256x64xi32>
    %and3A_569 = arith.andi %slice3A_566, %and3A_568 : vector<256x64xi32>
    %slice3A_570 = vector.extract_strided_slice %shift_right_arithmetic3A_565 {offsets = [256, 0], sizes = [256, 64], strides = [1, 1]} : vector<1024x64xi32> to vector<256x64xi32>
    %shift_left3A_571 = arith.constant 16 : i32
    %shift_left3A_572 = vector.broadcast %shift_left3A_571 : i32 to vector<256x64xi32>
    %shift_left3A_573 = arith.shli %slice3A_570, %shift_left3A_572 : vector<256x64xi32>
    %or3A_574 = arith.ori %and3A_569, %shift_left3A_573 : vector<256x64xi32>
    %slice3A_575 = vector.extract_strided_slice %shift_right_arithmetic3A_565 {offsets = [512, 0], sizes = [256, 64], strides = [1, 1]} : vector<1024x64xi32> to vector<256x64xi32>
    %and3A_576 = arith.constant 65535 : i32
    %and3A_577 = vector.broadcast %and3A_576 : i32 to vector<256x64xi32>
    %and3A_578 = arith.andi %slice3A_575, %and3A_577 : vector<256x64xi32>
    %slice3A_579 = vector.extract_strided_slice %shift_right_arithmetic3A_565 {offsets = [768, 0], sizes = [256, 64], strides = [1, 1]} : vector<1024x64xi32> to vector<256x64xi32>
    %shift_left3A_580 = arith.constant 16 : i32
    %shift_left3A_581 = vector.broadcast %shift_left3A_580 : i32 to vector<256x64xi32>
    %shift_left3A_582 = arith.shli %slice3A_579, %shift_left3A_581 : vector<256x64xi32>
    %or3A_583 = arith.ori %and3A_578, %shift_left3A_582 : vector<256x64xi32>
    %bitcast_convert_type3A_584 = tpu.bitcast %or3A_574 : vector<256x64xi32> -> vector<256x64xf32>
    %swap3A_585 = arith.constant 4352 : index
    %swap3A_586 = arith.constant 0 : index
    %swap3A_587 = vector.load %arg3[%swap3A_585, %swap3A_586] : memref<8192x128xf32, #tpu.memory_space<vmem>>, vector<256x64xf32>
    tpu.vector_store %arg3[%swap3A_585, %swap3A_586], %bitcast_convert_type3A_584 {strides = array<i32>} : memref<8192x128xf32, #tpu.memory_space<vmem>>, vector<256x64xf32>,
    %bitcast_convert_type3A_588 = tpu.bitcast %or3A_583 : vector<256x64xi32> -> vector<256x64xf32>
    %swap3A_589 = arith.constant 4352 : index
    %swap3A_590 = arith.constant 64 : index
    %swap3A_591 = vector.load %arg3[%swap3A_589, %swap3A_590] : memref<8192x128xf32, #tpu.memory_space<vmem>>, vector<256x64xf32>
    tpu.vector_store %arg3[%swap3A_589, %swap3A_590], %bitcast_convert_type3A_588 {strides = array<i32>} : memref<8192x128xf32, #tpu.memory_space<vmem>>, vector<256x64xf32>,
    %slice3A_592 = vector.extract_strided_slice %convert_element_type3A {offsets = [0, 18432], sizes = [64, 1024], strides = [1, 1]} : vector<64x32768xbf16> to vector<64x1024xbf16>
    %dot_general3A_593 = arith.constant dense<0.000000e+00> : vector<1024x64xf32>
    %dot_general3A_594 = tpu.matmul %slice3A_592, %convert_element_type3A_5, %dot_general3A_593 {dimension_numbers = #tpu.dot_dimension_numbers<[0], [0], [1], [1], [0, 1, 1, 1], [], []>, transpose_lhs_hint = false} : vector<64x1024xbf16>, vector<64x64xbf16>, vector<1024x64xf32> -> vector<1024x64xf32>
    %bitcast_convert_type3A_595 = tpu.bitcast %dot_general3A_594 : vector<1024x64xf32> -> vector<1024x64xi32>
    %shift_right_arithmetic3A_596 = arith.constant 16 : i32
    %shift_right_arithmetic3A_597 = vector.broadcast %shift_right_arithmetic3A_596 : i32 to vector<1024x64xi32>
    %shift_right_arithmetic3A_598 = arith.shrsi %bitcast_convert_type3A_595, %shift_right_arithmetic3A_597 : vector<1024x64xi32>
    %slice3A_599 = vector.extract_strided_slice %shift_right_arithmetic3A_598 {offsets = [0, 0], sizes = [256, 64], strides = [1, 1]} : vector<1024x64xi32> to vector<256x64xi32>
    %and3A_600 = arith.constant 65535 : i32
    %and3A_601 = vector.broadcast %and3A_600 : i32 to vector<256x64xi32>
    %and3A_602 = arith.andi %slice3A_599, %and3A_601 : vector<256x64xi32>
    %slice3A_603 = vector.extract_strided_slice %shift_right_arithmetic3A_598 {offsets = [256, 0], sizes = [256, 64], strides = [1, 1]} : vector<1024x64xi32> to vector<256x64xi32>
    %shift_left3A_604 = arith.constant 16 : i32
    %shift_left3A_605 = vector.broadcast %shift_left3A_604 : i32 to vector<256x64xi32>
    %shift_left3A_606 = arith.shli %slice3A_603, %shift_left3A_605 : vector<256x64xi32>
    %or3A_607 = arith.ori %and3A_602, %shift_left3A_606 : vector<256x64xi32>
    %slice3A_608 = vector.extract_strided_slice %shift_right_arithmetic3A_598 {offsets = [512, 0], sizes = [256, 64], strides = [1, 1]} : vector<1024x64xi32> to vector<256x64xi32>
    %and3A_609 = arith.constant 65535 : i32
    %and3A_610 = vector.broadcast %and3A_609 : i32 to vector<256x64xi32>
    %and3A_611 = arith.andi %slice3A_608, %and3A_610 : vector<256x64xi32>
    %slice3A_612 = vector.extract_strided_slice %shift_right_arithmetic3A_598 {offsets = [768, 0], sizes = [256, 64], strides = [1, 1]} : vector<1024x64xi32> to vector<256x64xi32>
    %shift_left3A_613 = arith.constant 16 : i32
    %shift_left3A_614 = vector.broadcast %shift_left3A_613 : i32 to vector<256x64xi32>
    %shift_left3A_615 = arith.shli %slice3A_612, %shift_left3A_614 : vector<256x64xi32>
    %or3A_616 = arith.ori %and3A_611, %shift_left3A_615 : vector<256x64xi32>
    %bitcast_convert_type3A_617 = tpu.bitcast %or3A_607 : vector<256x64xi32> -> vector<256x64xf32>
    %swap3A_618 = arith.constant 4608 : index
    %swap3A_619 = arith.constant 0 : index
    %swap3A_620 = vector.load %arg3[%swap3A_618, %swap3A_619] : memref<8192x128xf32, #tpu.memory_space<vmem>>, vector<256x64xf32>
    tpu.vector_store %arg3[%swap3A_618, %swap3A_619], %bitcast_convert_type3A_617 {strides = array<i32>} : memref<8192x128xf32, #tpu.memory_space<vmem>>, vector<256x64xf32>,
    %bitcast_convert_type3A_621 = tpu.bitcast %or3A_616 : vector<256x64xi32> -> vector<256x64xf32>
    %swap3A_622 = arith.constant 4608 : index
    %swap3A_623 = arith.constant 64 : index
    %swap3A_624 = vector.load %arg3[%swap3A_622, %swap3A_623] : memref<8192x128xf32, #tpu.memory_space<vmem>>, vector<256x64xf32>
    tpu.vector_store %arg3[%swap3A_622, %swap3A_623], %bitcast_convert_type3A_621 {strides = array<i32>} : memref<8192x128xf32, #tpu.memory_space<vmem>>, vector<256x64xf32>,
    %slice3A_625 = vector.extract_strided_slice %convert_element_type3A {offsets = [0, 19456], sizes = [64, 1024], strides = [1, 1]} : vector<64x32768xbf16> to vector<64x1024xbf16>
    %dot_general3A_626 = arith.constant dense<0.000000e+00> : vector<1024x64xf32>
    %dot_general3A_627 = tpu.matmul %slice3A_625, %convert_element_type3A_5, %dot_general3A_626 {dimension_numbers = #tpu.dot_dimension_numbers<[0], [0], [1], [1], [0, 1, 1, 1], [], []>, transpose_lhs_hint = false} : vector<64x1024xbf16>, vector<64x64xbf16>, vector<1024x64xf32> -> vector<1024x64xf32>
    %bitcast_convert_type3A_628 = tpu.bitcast %dot_general3A_627 : vector<1024x64xf32> -> vector<1024x64xi32>
    %shift_right_arithmetic3A_629 = arith.constant 16 : i32
    %shift_right_arithmetic3A_630 = vector.broadcast %shift_right_arithmetic3A_629 : i32 to vector<1024x64xi32>
    %shift_right_arithmetic3A_631 = arith.shrsi %bitcast_convert_type3A_628, %shift_right_arithmetic3A_630 : vector<1024x64xi32>
    %slice3A_632 = vector.extract_strided_slice %shift_right_arithmetic3A_631 {offsets = [0, 0], sizes = [256, 64], strides = [1, 1]} : vector<1024x64xi32> to vector<256x64xi32>
    %and3A_633 = arith.constant 65535 : i32
    %and3A_634 = vector.broadcast %and3A_633 : i32 to vector<256x64xi32>
    %and3A_635 = arith.andi %slice3A_632, %and3A_634 : vector<256x64xi32>
    %slice3A_636 = vector.extract_strided_slice %shift_right_arithmetic3A_631 {offsets = [256, 0], sizes = [256, 64], strides = [1, 1]} : vector<1024x64xi32> to vector<256x64xi32>
    %shift_left3A_637 = arith.constant 16 : i32
    %shift_left3A_638 = vector.broadcast %shift_left3A_637 : i32 to vector<256x64xi32>
    %shift_left3A_639 = arith.shli %slice3A_636, %shift_left3A_638 : vector<256x64xi32>
    %or3A_640 = arith.ori %and3A_635, %shift_left3A_639 : vector<256x64xi32>
    %slice3A_641 = vector.extract_strided_slice %shift_right_arithmetic3A_631 {offsets = [512, 0], sizes = [256, 64], strides = [1, 1]} : vector<1024x64xi32> to vector<256x64xi32>
    %and3A_642 = arith.constant 65535 : i32
    %and3A_643 = vector.broadcast %and3A_642 : i32 to vector<256x64xi32>
    %and3A_644 = arith.andi %slice3A_641, %and3A_643 : vector<256x64xi32>
    %slice3A_645 = vector.extract_strided_slice %shift_right_arithmetic3A_631 {offsets = [768, 0], sizes = [256, 64], strides = [1, 1]} : vector<1024x64xi32> to vector<256x64xi32>
    %shift_left3A_646 = arith.constant 16 : i32
    %shift_left3A_647 = vector.broadcast %shift_left3A_646 : i32 to vector<256x64xi32>
    %shift_left3A_648 = arith.shli %slice3A_645, %shift_left3A_647 : vector<256x64xi32>
    %or3A_649 = arith.ori %and3A_644, %shift_left3A_648 : vector<256x64xi32>
    %bitcast_convert_type3A_650 = tpu.bitcast %or3A_640 : vector<256x64xi32> -> vector<256x64xf32>
    %swap3A_651 = arith.constant 4864 : index
    %swap3A_652 = arith.constant 0 : index
    %swap3A_653 = vector.load %arg3[%swap3A_651, %swap3A_652] : memref<8192x128xf32, #tpu.memory_space<vmem>>, vector<256x64xf32>
    tpu.vector_store %arg3[%swap3A_651, %swap3A_652], %bitcast_convert_type3A_650 {strides = array<i32>} : memref<8192x128xf32, #tpu.memory_space<vmem>>, vector<256x64xf32>,
    %bitcast_convert_type3A_654 = tpu.bitcast %or3A_649 : vector<256x64xi32> -> vector<256x64xf32>
    %swap3A_655 = arith.constant 4864 : index
    %swap3A_656 = arith.constant 64 : index
    %swap3A_657 = vector.load %arg3[%swap3A_655, %swap3A_656] : memref<8192x128xf32, #tpu.memory_space<vmem>>, vector<256x64xf32>
    tpu.vector_store %arg3[%swap3A_655, %swap3A_656], %bitcast_convert_type3A_654 {strides = array<i32>} : memref<8192x128xf32, #tpu.memory_space<vmem>>, vector<256x64xf32>,
    %slice3A_658 = vector.extract_strided_slice %convert_element_type3A {offsets = [0, 20480], sizes = [64, 1024], strides = [1, 1]} : vector<64x32768xbf16> to vector<64x1024xbf16>
    %dot_general3A_659 = arith.constant dense<0.000000e+00> : vector<1024x64xf32>
    %dot_general3A_660 = tpu.matmul %slice3A_658, %convert_element_type3A_5, %dot_general3A_659 {dimension_numbers = #tpu.dot_dimension_numbers<[0], [0], [1], [1], [0, 1, 1, 1], [], []>, transpose_lhs_hint = false} : vector<64x1024xbf16>, vector<64x64xbf16>, vector<1024x64xf32> -> vector<1024x64xf32>
    %bitcast_convert_type3A_661 = tpu.bitcast %dot_general3A_660 : vector<1024x64xf32> -> vector<1024x64xi32>
    %shift_right_arithmetic3A_662 = arith.constant 16 : i32
    %shift_right_arithmetic3A_663 = vector.broadcast %shift_right_arithmetic3A_662 : i32 to vector<1024x64xi32>
    %shift_right_arithmetic3A_664 = arith.shrsi %bitcast_convert_type3A_661, %shift_right_arithmetic3A_663 : vector<1024x64xi32>
    %slice3A_665 = vector.extract_strided_slice %shift_right_arithmetic3A_664 {offsets = [0, 0], sizes = [256, 64], strides = [1, 1]} : vector<1024x64xi32> to vector<256x64xi32>
    %and3A_666 = arith.constant 65535 : i32
    %and3A_667 = vector.broadcast %and3A_666 : i32 to vector<256x64xi32>
    %and3A_668 = arith.andi %slice3A_665, %and3A_667 : vector<256x64xi32>
    %slice3A_669 = vector.extract_strided_slice %shift_right_arithmetic3A_664 {offsets = [256, 0], sizes = [256, 64], strides = [1, 1]} : vector<1024x64xi32> to vector<256x64xi32>
    %shift_left3A_670 = arith.constant 16 : i32
    %shift_left3A_671 = vector.broadcast %shift_left3A_670 : i32 to vector<256x64xi32>
    %shift_left3A_672 = arith.shli %slice3A_669, %shift_left3A_671 : vector<256x64xi32>
    %or3A_673 = arith.ori %and3A_668, %shift_left3A_672 : vector<256x64xi32>
    %slice3A_674 = vector.extract_strided_slice %shift_right_arithmetic3A_664 {offsets = [512, 0], sizes = [256, 64], strides = [1, 1]} : vector<1024x64xi32> to vector<256x64xi32>
    %and3A_675 = arith.constant 65535 : i32
    %and3A_676 = vector.broadcast %and3A_675 : i32 to vector<256x64xi32>
    %and3A_677 = arith.andi %slice3A_674, %and3A_676 : vector<256x64xi32>
    %slice3A_678 = vector.extract_strided_slice %shift_right_arithmetic3A_664 {offsets = [768, 0], sizes = [256, 64], strides = [1, 1]} : vector<1024x64xi32> to vector<256x64xi32>
    %shift_left3A_679 = arith.constant 16 : i32
    %shift_left3A_680 = vector.broadcast %shift_left3A_679 : i32 to vector<256x64xi32>
    %shift_left3A_681 = arith.shli %slice3A_678, %shift_left3A_680 : vector<256x64xi32>
    %or3A_682 = arith.ori %and3A_677, %shift_left3A_681 : vector<256x64xi32>
    %bitcast_convert_type3A_683 = tpu.bitcast %or3A_673 : vector<256x64xi32> -> vector<256x64xf32>
    %swap3A_684 = arith.constant 5120 : index
    %swap3A_685 = arith.constant 0 : index
    %swap3A_686 = vector.load %arg3[%swap3A_684, %swap3A_685] : memref<8192x128xf32, #tpu.memory_space<vmem>>, vector<256x64xf32>
    tpu.vector_store %arg3[%swap3A_684, %swap3A_685], %bitcast_convert_type3A_683 {strides = array<i32>} : memref<8192x128xf32, #tpu.memory_space<vmem>>, vector<256x64xf32>,
    %bitcast_convert_type3A_687 = tpu.bitcast %or3A_682 : vector<256x64xi32> -> vector<256x64xf32>
    %swap3A_688 = arith.constant 5120 : index
    %swap3A_689 = arith.constant 64 : index
    %swap3A_690 = vector.load %arg3[%swap3A_688, %swap3A_689] : memref<8192x128xf32, #tpu.memory_space<vmem>>, vector<256x64xf32>
    tpu.vector_store %arg3[%swap3A_688, %swap3A_689], %bitcast_convert_type3A_687 {strides = array<i32>} : memref<8192x128xf32, #tpu.memory_space<vmem>>, vector<256x64xf32>,
    %slice3A_691 = vector.extract_strided_slice %convert_element_type3A {offsets = [0, 21504], sizes = [64, 1024], strides = [1, 1]} : vector<64x32768xbf16> to vector<64x1024xbf16>
    %dot_general3A_692 = arith.constant dense<0.000000e+00> : vector<1024x64xf32>
    %dot_general3A_693 = tpu.matmul %slice3A_691, %convert_element_type3A_5, %dot_general3A_692 {dimension_numbers = #tpu.dot_dimension_numbers<[0], [0], [1], [1], [0, 1, 1, 1], [], []>, transpose_lhs_hint = false} : vector<64x1024xbf16>, vector<64x64xbf16>, vector<1024x64xf32> -> vector<1024x64xf32>
    %bitcast_convert_type3A_694 = tpu.bitcast %dot_general3A_693 : vector<1024x64xf32> -> vector<1024x64xi32>
    %shift_right_arithmetic3A_695 = arith.constant 16 : i32
    %shift_right_arithmetic3A_696 = vector.broadcast %shift_right_arithmetic3A_695 : i32 to vector<1024x64xi32>
    %shift_right_arithmetic3A_697 = arith.shrsi %bitcast_convert_type3A_694, %shift_right_arithmetic3A_696 : vector<1024x64xi32>
    %slice3A_698 = vector.extract_strided_slice %shift_right_arithmetic3A_697 {offsets = [0, 0], sizes = [256, 64], strides = [1, 1]} : vector<1024x64xi32> to vector<256x64xi32>
    %and3A_699 = arith.constant 65535 : i32
    %and3A_700 = vector.broadcast %and3A_699 : i32 to vector<256x64xi32>
    %and3A_701 = arith.andi %slice3A_698, %and3A_700 : vector<256x64xi32>
    %slice3A_702 = vector.extract_strided_slice %shift_right_arithmetic3A_697 {offsets = [256, 0], sizes = [256, 64], strides = [1, 1]} : vector<1024x64xi32> to vector<256x64xi32>
    %shift_left3A_703 = arith.constant 16 : i32
    %shift_left3A_704 = vector.broadcast %shift_left3A_703 : i32 to vector<256x64xi32>
    %shift_left3A_705 = arith.shli %slice3A_702, %shift_left3A_704 : vector<256x64xi32>
    %or3A_706 = arith.ori %and3A_701, %shift_left3A_705 : vector<256x64xi32>
    %slice3A_707 = vector.extract_strided_slice %shift_right_arithmetic3A_697 {offsets = [512, 0], sizes = [256, 64], strides = [1, 1]} : vector<1024x64xi32> to vector<256x64xi32>
    %and3A_708 = arith.constant 65535 : i32
    %and3A_709 = vector.broadcast %and3A_708 : i32 to vector<256x64xi32>
    %and3A_710 = arith.andi %slice3A_707, %and3A_709 : vector<256x64xi32>
    %slice3A_711 = vector.extract_strided_slice %shift_right_arithmetic3A_697 {offsets = [768, 0], sizes = [256, 64], strides = [1, 1]} : vector<1024x64xi32> to vector<256x64xi32>
    %shift_left3A_712 = arith.constant 16 : i32
    %shift_left3A_713 = vector.broadcast %shift_left3A_712 : i32 to vector<256x64xi32>
    %shift_left3A_714 = arith.shli %slice3A_711, %shift_left3A_713 : vector<256x64xi32>
    %or3A_715 = arith.ori %and3A_710, %shift_left3A_714 : vector<256x64xi32>
    %bitcast_convert_type3A_716 = tpu.bitcast %or3A_706 : vector<256x64xi32> -> vector<256x64xf32>
    %swap3A_717 = arith.constant 5376 : index
    %swap3A_718 = arith.constant 0 : index
    %swap3A_719 = vector.load %arg3[%swap3A_717, %swap3A_718] : memref<8192x128xf32, #tpu.memory_space<vmem>>, vector<256x64xf32>
    tpu.vector_store %arg3[%swap3A_717, %swap3A_718], %bitcast_convert_type3A_716 {strides = array<i32>} : memref<8192x128xf32, #tpu.memory_space<vmem>>, vector<256x64xf32>,
    %bitcast_convert_type3A_720 = tpu.bitcast %or3A_715 : vector<256x64xi32> -> vector<256x64xf32>
    %swap3A_721 = arith.constant 5376 : index
    %swap3A_722 = arith.constant 64 : index
    %swap3A_723 = vector.load %arg3[%swap3A_721, %swap3A_722] : memref<8192x128xf32, #tpu.memory_space<vmem>>, vector<256x64xf32>
    tpu.vector_store %arg3[%swap3A_721, %swap3A_722], %bitcast_convert_type3A_720 {strides = array<i32>} : memref<8192x128xf32, #tpu.memory_space<vmem>>, vector<256x64xf32>,
    %slice3A_724 = vector.extract_strided_slice %convert_element_type3A {offsets = [0, 22528], sizes = [64, 1024], strides = [1, 1]} : vector<64x32768xbf16> to vector<64x1024xbf16>
    %dot_general3A_725 = arith.constant dense<0.000000e+00> : vector<1024x64xf32>
    %dot_general3A_726 = tpu.matmul %slice3A_724, %convert_element_type3A_5, %dot_general3A_725 {dimension_numbers = #tpu.dot_dimension_numbers<[0], [0], [1], [1], [0, 1, 1, 1], [], []>, transpose_lhs_hint = false} : vector<64x1024xbf16>, vector<64x64xbf16>, vector<1024x64xf32> -> vector<1024x64xf32>
    %bitcast_convert_type3A_727 = tpu.bitcast %dot_general3A_726 : vector<1024x64xf32> -> vector<1024x64xi32>
    %shift_right_arithmetic3A_728 = arith.constant 16 : i32
    %shift_right_arithmetic3A_729 = vector.broadcast %shift_right_arithmetic3A_728 : i32 to vector<1024x64xi32>
    %shift_right_arithmetic3A_730 = arith.shrsi %bitcast_convert_type3A_727, %shift_right_arithmetic3A_729 : vector<1024x64xi32>
    %slice3A_731 = vector.extract_strided_slice %shift_right_arithmetic3A_730 {offsets = [0, 0], sizes = [256, 64], strides = [1, 1]} : vector<1024x64xi32> to vector<256x64xi32>
    %and3A_732 = arith.constant 65535 : i32
    %and3A_733 = vector.broadcast %and3A_732 : i32 to vector<256x64xi32>
    %and3A_734 = arith.andi %slice3A_731, %and3A_733 : vector<256x64xi32>
    %slice3A_735 = vector.extract_strided_slice %shift_right_arithmetic3A_730 {offsets = [256, 0], sizes = [256, 64], strides = [1, 1]} : vector<1024x64xi32> to vector<256x64xi32>
    %shift_left3A_736 = arith.constant 16 : i32
    %shift_left3A_737 = vector.broadcast %shift_left3A_736 : i32 to vector<256x64xi32>
    %shift_left3A_738 = arith.shli %slice3A_735, %shift_left3A_737 : vector<256x64xi32>
    %or3A_739 = arith.ori %and3A_734, %shift_left3A_738 : vector<256x64xi32>
    %slice3A_740 = vector.extract_strided_slice %shift_right_arithmetic3A_730 {offsets = [512, 0], sizes = [256, 64], strides = [1, 1]} : vector<1024x64xi32> to vector<256x64xi32>
    %and3A_741 = arith.constant 65535 : i32
    %and3A_742 = vector.broadcast %and3A_741 : i32 to vector<256x64xi32>
    %and3A_743 = arith.andi %slice3A_740, %and3A_742 : vector<256x64xi32>
    %slice3A_744 = vector.extract_strided_slice %shift_right_arithmetic3A_730 {offsets = [768, 0], sizes = [256, 64], strides = [1, 1]} : vector<1024x64xi32> to vector<256x64xi32>
    %shift_left3A_745 = arith.constant 16 : i32
    %shift_left3A_746 = vector.broadcast %shift_left3A_745 : i32 to vector<256x64xi32>
    %shift_left3A_747 = arith.shli %slice3A_744, %shift_left3A_746 : vector<256x64xi32>
    %or3A_748 = arith.ori %and3A_743, %shift_left3A_747 : vector<256x64xi32>
    %bitcast_convert_type3A_749 = tpu.bitcast %or3A_739 : vector<256x64xi32> -> vector<256x64xf32>
    %swap3A_750 = arith.constant 5632 : index
    %swap3A_751 = arith.constant 0 : index
    %swap3A_752 = vector.load %arg3[%swap3A_750, %swap3A_751] : memref<8192x128xf32, #tpu.memory_space<vmem>>, vector<256x64xf32>
    tpu.vector_store %arg3[%swap3A_750, %swap3A_751], %bitcast_convert_type3A_749 {strides = array<i32>} : memref<8192x128xf32, #tpu.memory_space<vmem>>, vector<256x64xf32>,
    %bitcast_convert_type3A_753 = tpu.bitcast %or3A_748 : vector<256x64xi32> -> vector<256x64xf32>
    %swap3A_754 = arith.constant 5632 : index
    %swap3A_755 = arith.constant 64 : index
    %swap3A_756 = vector.load %arg3[%swap3A_754, %swap3A_755] : memref<8192x128xf32, #tpu.memory_space<vmem>>, vector<256x64xf32>
    tpu.vector_store %arg3[%swap3A_754, %swap3A_755], %bitcast_convert_type3A_753 {strides = array<i32>} : memref<8192x128xf32, #tpu.memory_space<vmem>>, vector<256x64xf32>,
    %slice3A_757 = vector.extract_strided_slice %convert_element_type3A {offsets = [0, 23552], sizes = [64, 1024], strides = [1, 1]} : vector<64x32768xbf16> to vector<64x1024xbf16>
    %dot_general3A_758 = arith.constant dense<0.000000e+00> : vector<1024x64xf32>
    %dot_general3A_759 = tpu.matmul %slice3A_757, %convert_element_type3A_5, %dot_general3A_758 {dimension_numbers = #tpu.dot_dimension_numbers<[0], [0], [1], [1], [0, 1, 1, 1], [], []>, transpose_lhs_hint = false} : vector<64x1024xbf16>, vector<64x64xbf16>, vector<1024x64xf32> -> vector<1024x64xf32>
    %bitcast_convert_type3A_760 = tpu.bitcast %dot_general3A_759 : vector<1024x64xf32> -> vector<1024x64xi32>
    %shift_right_arithmetic3A_761 = arith.constant 16 : i32
    %shift_right_arithmetic3A_762 = vector.broadcast %shift_right_arithmetic3A_761 : i32 to vector<1024x64xi32>
    %shift_right_arithmetic3A_763 = arith.shrsi %bitcast_convert_type3A_760, %shift_right_arithmetic3A_762 : vector<1024x64xi32>
    %slice3A_764 = vector.extract_strided_slice %shift_right_arithmetic3A_763 {offsets = [0, 0], sizes = [256, 64], strides = [1, 1]} : vector<1024x64xi32> to vector<256x64xi32>
    %and3A_765 = arith.constant 65535 : i32
    %and3A_766 = vector.broadcast %and3A_765 : i32 to vector<256x64xi32>
    %and3A_767 = arith.andi %slice3A_764, %and3A_766 : vector<256x64xi32>
    %slice3A_768 = vector.extract_strided_slice %shift_right_arithmetic3A_763 {offsets = [256, 0], sizes = [256, 64], strides = [1, 1]} : vector<1024x64xi32> to vector<256x64xi32>
    %shift_left3A_769 = arith.constant 16 : i32
    %shift_left3A_770 = vector.broadcast %shift_left3A_769 : i32 to vector<256x64xi32>
    %shift_left3A_771 = arith.shli %slice3A_768, %shift_left3A_770 : vector<256x64xi32>
    %or3A_772 = arith.ori %and3A_767, %shift_left3A_771 : vector<256x64xi32>
    %slice3A_773 = vector.extract_strided_slice %shift_right_arithmetic3A_763 {offsets = [512, 0], sizes = [256, 64], strides = [1, 1]} : vector<1024x64xi32> to vector<256x64xi32>
    %and3A_774 = arith.constant 65535 : i32
    %and3A_775 = vector.broadcast %and3A_774 : i32 to vector<256x64xi32>
    %and3A_776 = arith.andi %slice3A_773, %and3A_775 : vector<256x64xi32>
    %slice3A_777 = vector.extract_strided_slice %shift_right_arithmetic3A_763 {offsets = [768, 0], sizes = [256, 64], strides = [1, 1]} : vector<1024x64xi32> to vector<256x64xi32>
    %shift_left3A_778 = arith.constant 16 : i32
    %shift_left3A_779 = vector.broadcast %shift_left3A_778 : i32 to vector<256x64xi32>
    %shift_left3A_780 = arith.shli %slice3A_777, %shift_left3A_779 : vector<256x64xi32>
    %or3A_781 = arith.ori %and3A_776, %shift_left3A_780 : vector<256x64xi32>
    %bitcast_convert_type3A_782 = tpu.bitcast %or3A_772 : vector<256x64xi32> -> vector<256x64xf32>
    %swap3A_783 = arith.constant 5888 : index
    %swap3A_784 = arith.constant 0 : index
    %swap3A_785 = vector.load %arg3[%swap3A_783, %swap3A_784] : memref<8192x128xf32, #tpu.memory_space<vmem>>, vector<256x64xf32>
    tpu.vector_store %arg3[%swap3A_783, %swap3A_784], %bitcast_convert_type3A_782 {strides = array<i32>} : memref<8192x128xf32, #tpu.memory_space<vmem>>, vector<256x64xf32>,
    %bitcast_convert_type3A_786 = tpu.bitcast %or3A_781 : vector<256x64xi32> -> vector<256x64xf32>
    %swap3A_787 = arith.constant 5888 : index
    %swap3A_788 = arith.constant 64 : index
    %swap3A_789 = vector.load %arg3[%swap3A_787, %swap3A_788] : memref<8192x128xf32, #tpu.memory_space<vmem>>, vector<256x64xf32>
    tpu.vector_store %arg3[%swap3A_787, %swap3A_788], %bitcast_convert_type3A_786 {strides = array<i32>} : memref<8192x128xf32, #tpu.memory_space<vmem>>, vector<256x64xf32>,
    %slice3A_790 = vector.extract_strided_slice %convert_element_type3A {offsets = [0, 24576], sizes = [64, 1024], strides = [1, 1]} : vector<64x32768xbf16> to vector<64x1024xbf16>
    %dot_general3A_791 = arith.constant dense<0.000000e+00> : vector<1024x64xf32>
    %dot_general3A_792 = tpu.matmul %slice3A_790, %convert_element_type3A_5, %dot_general3A_791 {dimension_numbers = #tpu.dot_dimension_numbers<[0], [0], [1], [1], [0, 1, 1, 1], [], []>, transpose_lhs_hint = false} : vector<64x1024xbf16>, vector<64x64xbf16>, vector<1024x64xf32> -> vector<1024x64xf32>
    %bitcast_convert_type3A_793 = tpu.bitcast %dot_general3A_792 : vector<1024x64xf32> -> vector<1024x64xi32>
    %shift_right_arithmetic3A_794 = arith.constant 16 : i32
    %shift_right_arithmetic3A_795 = vector.broadcast %shift_right_arithmetic3A_794 : i32 to vector<1024x64xi32>
    %shift_right_arithmetic3A_796 = arith.shrsi %bitcast_convert_type3A_793, %shift_right_arithmetic3A_795 : vector<1024x64xi32>
    %slice3A_797 = vector.extract_strided_slice %shift_right_arithmetic3A_796 {offsets = [0, 0], sizes = [256, 64], strides = [1, 1]} : vector<1024x64xi32> to vector<256x64xi32>
    %and3A_798 = arith.constant 65535 : i32
    %and3A_799 = vector.broadcast %and3A_798 : i32 to vector<256x64xi32>
    %and3A_800 = arith.andi %slice3A_797, %and3A_799 : vector<256x64xi32>
    %slice3A_801 = vector.extract_strided_slice %shift_right_arithmetic3A_796 {offsets = [256, 0], sizes = [256, 64], strides = [1, 1]} : vector<1024x64xi32> to vector<256x64xi32>
    %shift_left3A_802 = arith.constant 16 : i32
    %shift_left3A_803 = vector.broadcast %shift_left3A_802 : i32 to vector<256x64xi32>
    %shift_left3A_804 = arith.shli %slice3A_801, %shift_left3A_803 : vector<256x64xi32>
    %or3A_805 = arith.ori %and3A_800, %shift_left3A_804 : vector<256x64xi32>
    %slice3A_806 = vector.extract_strided_slice %shift_right_arithmetic3A_796 {offsets = [512, 0], sizes = [256, 64], strides = [1, 1]} : vector<1024x64xi32> to vector<256x64xi32>
    %and3A_807 = arith.constant 65535 : i32
    %and3A_808 = vector.broadcast %and3A_807 : i32 to vector<256x64xi32>
    %and3A_809 = arith.andi %slice3A_806, %and3A_808 : vector<256x64xi32>
    %slice3A_810 = vector.extract_strided_slice %shift_right_arithmetic3A_796 {offsets = [768, 0], sizes = [256, 64], strides = [1, 1]} : vector<1024x64xi32> to vector<256x64xi32>
    %shift_left3A_811 = arith.constant 16 : i32
    %shift_left3A_812 = vector.broadcast %shift_left3A_811 : i32 to vector<256x64xi32>
    %shift_left3A_813 = arith.shli %slice3A_810, %shift_left3A_812 : vector<256x64xi32>
    %or3A_814 = arith.ori %and3A_809, %shift_left3A_813 : vector<256x64xi32>
    %bitcast_convert_type3A_815 = tpu.bitcast %or3A_805 : vector<256x64xi32> -> vector<256x64xf32>
    %swap3A_816 = arith.constant 6144 : index
    %swap3A_817 = arith.constant 0 : index
    %swap3A_818 = vector.load %arg3[%swap3A_816, %swap3A_817] : memref<8192x128xf32, #tpu.memory_space<vmem>>, vector<256x64xf32>
    tpu.vector_store %arg3[%swap3A_816, %swap3A_817], %bitcast_convert_type3A_815 {strides = array<i32>} : memref<8192x128xf32, #tpu.memory_space<vmem>>, vector<256x64xf32>,
    %bitcast_convert_type3A_819 = tpu.bitcast %or3A_814 : vector<256x64xi32> -> vector<256x64xf32>
    %swap3A_820 = arith.constant 6144 : index
    %swap3A_821 = arith.constant 64 : index
    %swap3A_822 = vector.load %arg3[%swap3A_820, %swap3A_821] : memref<8192x128xf32, #tpu.memory_space<vmem>>, vector<256x64xf32>
    tpu.vector_store %arg3[%swap3A_820, %swap3A_821], %bitcast_convert_type3A_819 {strides = array<i32>} : memref<8192x128xf32, #tpu.memory_space<vmem>>, vector<256x64xf32>,
    %slice3A_823 = vector.extract_strided_slice %convert_element_type3A {offsets = [0, 25600], sizes = [64, 1024], strides = [1, 1]} : vector<64x32768xbf16> to vector<64x1024xbf16>
    %dot_general3A_824 = arith.constant dense<0.000000e+00> : vector<1024x64xf32>
    %dot_general3A_825 = tpu.matmul %slice3A_823, %convert_element_type3A_5, %dot_general3A_824 {dimension_numbers = #tpu.dot_dimension_numbers<[0], [0], [1], [1], [0, 1, 1, 1], [], []>, transpose_lhs_hint = false} : vector<64x1024xbf16>, vector<64x64xbf16>, vector<1024x64xf32> -> vector<1024x64xf32>
    %bitcast_convert_type3A_826 = tpu.bitcast %dot_general3A_825 : vector<1024x64xf32> -> vector<1024x64xi32>
    %shift_right_arithmetic3A_827 = arith.constant 16 : i32
    %shift_right_arithmetic3A_828 = vector.broadcast %shift_right_arithmetic3A_827 : i32 to vector<1024x64xi32>
    %shift_right_arithmetic3A_829 = arith.shrsi %bitcast_convert_type3A_826, %shift_right_arithmetic3A_828 : vector<1024x64xi32>
    %slice3A_830 = vector.extract_strided_slice %shift_right_arithmetic3A_829 {offsets = [0, 0], sizes = [256, 64], strides = [1, 1]} : vector<1024x64xi32> to vector<256x64xi32>
    %and3A_831 = arith.constant 65535 : i32
    %and3A_832 = vector.broadcast %and3A_831 : i32 to vector<256x64xi32>
    %and3A_833 = arith.andi %slice3A_830, %and3A_832 : vector<256x64xi32>
    %slice3A_834 = vector.extract_strided_slice %shift_right_arithmetic3A_829 {offsets = [256, 0], sizes = [256, 64], strides = [1, 1]} : vector<1024x64xi32> to vector<256x64xi32>
    %shift_left3A_835 = arith.constant 16 : i32
    %shift_left3A_836 = vector.broadcast %shift_left3A_835 : i32 to vector<256x64xi32>
    %shift_left3A_837 = arith.shli %slice3A_834, %shift_left3A_836 : vector<256x64xi32>
    %or3A_838 = arith.ori %and3A_833, %shift_left3A_837 : vector<256x64xi32>
    %slice3A_839 = vector.extract_strided_slice %shift_right_arithmetic3A_829 {offsets = [512, 0], sizes = [256, 64], strides = [1, 1]} : vector<1024x64xi32> to vector<256x64xi32>
    %and3A_840 = arith.constant 65535 : i32
    %and3A_841 = vector.broadcast %and3A_840 : i32 to vector<256x64xi32>
    %and3A_842 = arith.andi %slice3A_839, %and3A_841 : vector<256x64xi32>
    %slice3A_843 = vector.extract_strided_slice %shift_right_arithmetic3A_829 {offsets = [768, 0], sizes = [256, 64], strides = [1, 1]} : vector<1024x64xi32> to vector<256x64xi32>
    %shift_left3A_844 = arith.constant 16 : i32
    %shift_left3A_845 = vector.broadcast %shift_left3A_844 : i32 to vector<256x64xi32>
    %shift_left3A_846 = arith.shli %slice3A_843, %shift_left3A_845 : vector<256x64xi32>
    %or3A_847 = arith.ori %and3A_842, %shift_left3A_846 : vector<256x64xi32>
    %bitcast_convert_type3A_848 = tpu.bitcast %or3A_838 : vector<256x64xi32> -> vector<256x64xf32>
    %swap3A_849 = arith.constant 6400 : index
    %swap3A_850 = arith.constant 0 : index
    %swap3A_851 = vector.load %arg3[%swap3A_849, %swap3A_850] : memref<8192x128xf32, #tpu.memory_space<vmem>>, vector<256x64xf32>
    tpu.vector_store %arg3[%swap3A_849, %swap3A_850], %bitcast_convert_type3A_848 {strides = array<i32>} : memref<8192x128xf32, #tpu.memory_space<vmem>>, vector<256x64xf32>,
    %bitcast_convert_type3A_852 = tpu.bitcast %or3A_847 : vector<256x64xi32> -> vector<256x64xf32>
    %swap3A_853 = arith.constant 6400 : index
    %swap3A_854 = arith.constant 64 : index
    %swap3A_855 = vector.load %arg3[%swap3A_853, %swap3A_854] : memref<8192x128xf32, #tpu.memory_space<vmem>>, vector<256x64xf32>
    tpu.vector_store %arg3[%swap3A_853, %swap3A_854], %bitcast_convert_type3A_852 {strides = array<i32>} : memref<8192x128xf32, #tpu.memory_space<vmem>>, vector<256x64xf32>,
    %slice3A_856 = vector.extract_strided_slice %convert_element_type3A {offsets = [0, 26624], sizes = [64, 1024], strides = [1, 1]} : vector<64x32768xbf16> to vector<64x1024xbf16>
    %dot_general3A_857 = arith.constant dense<0.000000e+00> : vector<1024x64xf32>
    %dot_general3A_858 = tpu.matmul %slice3A_856, %convert_element_type3A_5, %dot_general3A_857 {dimension_numbers = #tpu.dot_dimension_numbers<[0], [0], [1], [1], [0, 1, 1, 1], [], []>, transpose_lhs_hint = false} : vector<64x1024xbf16>, vector<64x64xbf16>, vector<1024x64xf32> -> vector<1024x64xf32>
    %bitcast_convert_type3A_859 = tpu.bitcast %dot_general3A_858 : vector<1024x64xf32> -> vector<1024x64xi32>
    %shift_right_arithmetic3A_860 = arith.constant 16 : i32
    %shift_right_arithmetic3A_861 = vector.broadcast %shift_right_arithmetic3A_860 : i32 to vector<1024x64xi32>
    %shift_right_arithmetic3A_862 = arith.shrsi %bitcast_convert_type3A_859, %shift_right_arithmetic3A_861 : vector<1024x64xi32>
    %slice3A_863 = vector.extract_strided_slice %shift_right_arithmetic3A_862 {offsets = [0, 0], sizes = [256, 64], strides = [1, 1]} : vector<1024x64xi32> to vector<256x64xi32>
    %and3A_864 = arith.constant 65535 : i32
    %and3A_865 = vector.broadcast %and3A_864 : i32 to vector<256x64xi32>
    %and3A_866 = arith.andi %slice3A_863, %and3A_865 : vector<256x64xi32>
    %slice3A_867 = vector.extract_strided_slice %shift_right_arithmetic3A_862 {offsets = [256, 0], sizes = [256, 64], strides = [1, 1]} : vector<1024x64xi32> to vector<256x64xi32>
    %shift_left3A_868 = arith.constant 16 : i32
    %shift_left3A_869 = vector.broadcast %shift_left3A_868 : i32 to vector<256x64xi32>
    %shift_left3A_870 = arith.shli %slice3A_867, %shift_left3A_869 : vector<256x64xi32>
    %or3A_871 = arith.ori %and3A_866, %shift_left3A_870 : vector<256x64xi32>
    %slice3A_872 = vector.extract_strided_slice %shift_right_arithmetic3A_862 {offsets = [512, 0], sizes = [256, 64], strides = [1, 1]} : vector<1024x64xi32> to vector<256x64xi32>
    %and3A_873 = arith.constant 65535 : i32
    %and3A_874 = vector.broadcast %and3A_873 : i32 to vector<256x64xi32>
    %and3A_875 = arith.andi %slice3A_872, %and3A_874 : vector<256x64xi32>
    %slice3A_876 = vector.extract_strided_slice %shift_right_arithmetic3A_862 {offsets = [768, 0], sizes = [256, 64], strides = [1, 1]} : vector<1024x64xi32> to vector<256x64xi32>
    %shift_left3A_877 = arith.constant 16 : i32
    %shift_left3A_878 = vector.broadcast %shift_left3A_877 : i32 to vector<256x64xi32>
    %shift_left3A_879 = arith.shli %slice3A_876, %shift_left3A_878 : vector<256x64xi32>
    %or3A_880 = arith.ori %and3A_875, %shift_left3A_879 : vector<256x64xi32>
    %bitcast_convert_type3A_881 = tpu.bitcast %or3A_871 : vector<256x64xi32> -> vector<256x64xf32>
    %swap3A_882 = arith.constant 6656 : index
    %swap3A_883 = arith.constant 0 : index
    %swap3A_884 = vector.load %arg3[%swap3A_882, %swap3A_883] : memref<8192x128xf32, #tpu.memory_space<vmem>>, vector<256x64xf32>
    tpu.vector_store %arg3[%swap3A_882, %swap3A_883], %bitcast_convert_type3A_881 {strides = array<i32>} : memref<8192x128xf32, #tpu.memory_space<vmem>>, vector<256x64xf32>,
    %bitcast_convert_type3A_885 = tpu.bitcast %or3A_880 : vector<256x64xi32> -> vector<256x64xf32>
    %swap3A_886 = arith.constant 6656 : index
    %swap3A_887 = arith.constant 64 : index
    %swap3A_888 = vector.load %arg3[%swap3A_886, %swap3A_887] : memref<8192x128xf32, #tpu.memory_space<vmem>>, vector<256x64xf32>
    tpu.vector_store %arg3[%swap3A_886, %swap3A_887], %bitcast_convert_type3A_885 {strides = array<i32>} : memref<8192x128xf32, #tpu.memory_space<vmem>>, vector<256x64xf32>,
    %slice3A_889 = vector.extract_strided_slice %convert_element_type3A {offsets = [0, 27648], sizes = [64, 1024], strides = [1, 1]} : vector<64x32768xbf16> to vector<64x1024xbf16>
    %dot_general3A_890 = arith.constant dense<0.000000e+00> : vector<1024x64xf32>
    %dot_general3A_891 = tpu.matmul %slice3A_889, %convert_element_type3A_5, %dot_general3A_890 {dimension_numbers = #tpu.dot_dimension_numbers<[0], [0], [1], [1], [0, 1, 1, 1], [], []>, transpose_lhs_hint = false} : vector<64x1024xbf16>, vector<64x64xbf16>, vector<1024x64xf32> -> vector<1024x64xf32>
    %bitcast_convert_type3A_892 = tpu.bitcast %dot_general3A_891 : vector<1024x64xf32> -> vector<1024x64xi32>
    %shift_right_arithmetic3A_893 = arith.constant 16 : i32
    %shift_right_arithmetic3A_894 = vector.broadcast %shift_right_arithmetic3A_893 : i32 to vector<1024x64xi32>
    %shift_right_arithmetic3A_895 = arith.shrsi %bitcast_convert_type3A_892, %shift_right_arithmetic3A_894 : vector<1024x64xi32>
    %slice3A_896 = vector.extract_strided_slice %shift_right_arithmetic3A_895 {offsets = [0, 0], sizes = [256, 64], strides = [1, 1]} : vector<1024x64xi32> to vector<256x64xi32>
    %and3A_897 = arith.constant 65535 : i32
    %and3A_898 = vector.broadcast %and3A_897 : i32 to vector<256x64xi32>
    %and3A_899 = arith.andi %slice3A_896, %and3A_898 : vector<256x64xi32>
    %slice3A_900 = vector.extract_strided_slice %shift_right_arithmetic3A_895 {offsets = [256, 0], sizes = [256, 64], strides = [1, 1]} : vector<1024x64xi32> to vector<256x64xi32>
    %shift_left3A_901 = arith.constant 16 : i32
    %shift_left3A_902 = vector.broadcast %shift_left3A_901 : i32 to vector<256x64xi32>
    %shift_left3A_903 = arith.shli %slice3A_900, %shift_left3A_902 : vector<256x64xi32>
    %or3A_904 = arith.ori %and3A_899, %shift_left3A_903 : vector<256x64xi32>
    %slice3A_905 = vector.extract_strided_slice %shift_right_arithmetic3A_895 {offsets = [512, 0], sizes = [256, 64], strides = [1, 1]} : vector<1024x64xi32> to vector<256x64xi32>
    %and3A_906 = arith.constant 65535 : i32
    %and3A_907 = vector.broadcast %and3A_906 : i32 to vector<256x64xi32>
    %and3A_908 = arith.andi %slice3A_905, %and3A_907 : vector<256x64xi32>
    %slice3A_909 = vector.extract_strided_slice %shift_right_arithmetic3A_895 {offsets = [768, 0], sizes = [256, 64], strides = [1, 1]} : vector<1024x64xi32> to vector<256x64xi32>
    %shift_left3A_910 = arith.constant 16 : i32
    %shift_left3A_911 = vector.broadcast %shift_left3A_910 : i32 to vector<256x64xi32>
    %shift_left3A_912 = arith.shli %slice3A_909, %shift_left3A_911 : vector<256x64xi32>
    %or3A_913 = arith.ori %and3A_908, %shift_left3A_912 : vector<256x64xi32>
    %bitcast_convert_type3A_914 = tpu.bitcast %or3A_904 : vector<256x64xi32> -> vector<256x64xf32>
    %swap3A_915 = arith.constant 6912 : index
    %swap3A_916 = arith.constant 0 : index
    %swap3A_917 = vector.load %arg3[%swap3A_915, %swap3A_916] : memref<8192x128xf32, #tpu.memory_space<vmem>>, vector<256x64xf32>
    tpu.vector_store %arg3[%swap3A_915, %swap3A_916], %bitcast_convert_type3A_914 {strides = array<i32>} : memref<8192x128xf32, #tpu.memory_space<vmem>>, vector<256x64xf32>,
    %bitcast_convert_type3A_918 = tpu.bitcast %or3A_913 : vector<256x64xi32> -> vector<256x64xf32>
    %swap3A_919 = arith.constant 6912 : index
    %swap3A_920 = arith.constant 64 : index
    %swap3A_921 = vector.load %arg3[%swap3A_919, %swap3A_920] : memref<8192x128xf32, #tpu.memory_space<vmem>>, vector<256x64xf32>
    tpu.vector_store %arg3[%swap3A_919, %swap3A_920], %bitcast_convert_type3A_918 {strides = array<i32>} : memref<8192x128xf32, #tpu.memory_space<vmem>>, vector<256x64xf32>,
    %slice3A_922 = vector.extract_strided_slice %convert_element_type3A {offsets = [0, 28672], sizes = [64, 1024], strides = [1, 1]} : vector<64x32768xbf16> to vector<64x1024xbf16>
    %dot_general3A_923 = arith.constant dense<0.000000e+00> : vector<1024x64xf32>
    %dot_general3A_924 = tpu.matmul %slice3A_922, %convert_element_type3A_5, %dot_general3A_923 {dimension_numbers = #tpu.dot_dimension_numbers<[0], [0], [1], [1], [0, 1, 1, 1], [], []>, transpose_lhs_hint = false} : vector<64x1024xbf16>, vector<64x64xbf16>, vector<1024x64xf32> -> vector<1024x64xf32>
    %bitcast_convert_type3A_925 = tpu.bitcast %dot_general3A_924 : vector<1024x64xf32> -> vector<1024x64xi32>
    %shift_right_arithmetic3A_926 = arith.constant 16 : i32
    %shift_right_arithmetic3A_927 = vector.broadcast %shift_right_arithmetic3A_926 : i32 to vector<1024x64xi32>
    %shift_right_arithmetic3A_928 = arith.shrsi %bitcast_convert_type3A_925, %shift_right_arithmetic3A_927 : vector<1024x64xi32>
    %slice3A_929 = vector.extract_strided_slice %shift_right_arithmetic3A_928 {offsets = [0, 0], sizes = [256, 64], strides = [1, 1]} : vector<1024x64xi32> to vector<256x64xi32>
    %and3A_930 = arith.constant 65535 : i32
    %and3A_931 = vector.broadcast %and3A_930 : i32 to vector<256x64xi32>
    %and3A_932 = arith.andi %slice3A_929, %and3A_931 : vector<256x64xi32>
    %slice3A_933 = vector.extract_strided_slice %shift_right_arithmetic3A_928 {offsets = [256, 0], sizes = [256, 64], strides = [1, 1]} : vector<1024x64xi32> to vector<256x64xi32>
    %shift_left3A_934 = arith.constant 16 : i32
    %shift_left3A_935 = vector.broadcast %shift_left3A_934 : i32 to vector<256x64xi32>
    %shift_left3A_936 = arith.shli %slice3A_933, %shift_left3A_935 : vector<256x64xi32>
    %or3A_937 = arith.ori %and3A_932, %shift_left3A_936 : vector<256x64xi32>
    %slice3A_938 = vector.extract_strided_slice %shift_right_arithmetic3A_928 {offsets = [512, 0], sizes = [256, 64], strides = [1, 1]} : vector<1024x64xi32> to vector<256x64xi32>
    %and3A_939 = arith.constant 65535 : i32
    %and3A_940 = vector.broadcast %and3A_939 : i32 to vector<256x64xi32>
    %and3A_941 = arith.andi %slice3A_938, %and3A_940 : vector<256x64xi32>
    %slice3A_942 = vector.extract_strided_slice %shift_right_arithmetic3A_928 {offsets = [768, 0], sizes = [256, 64], strides = [1, 1]} : vector<1024x64xi32> to vector<256x64xi32>
    %shift_left3A_943 = arith.constant 16 : i32
    %shift_left3A_944 = vector.broadcast %shift_left3A_943 : i32 to vector<256x64xi32>
    %shift_left3A_945 = arith.shli %slice3A_942, %shift_left3A_944 : vector<256x64xi32>
    %or3A_946 = arith.ori %and3A_941, %shift_left3A_945 : vector<256x64xi32>
    %bitcast_convert_type3A_947 = tpu.bitcast %or3A_937 : vector<256x64xi32> -> vector<256x64xf32>
    %swap3A_948 = arith.constant 7168 : index
    %swap3A_949 = arith.constant 0 : index
    %swap3A_950 = vector.load %arg3[%swap3A_948, %swap3A_949] : memref<8192x128xf32, #tpu.memory_space<vmem>>, vector<256x64xf32>
    tpu.vector_store %arg3[%swap3A_948, %swap3A_949], %bitcast_convert_type3A_947 {strides = array<i32>} : memref<8192x128xf32, #tpu.memory_space<vmem>>, vector<256x64xf32>,
    %bitcast_convert_type3A_951 = tpu.bitcast %or3A_946 : vector<256x64xi32> -> vector<256x64xf32>
    %swap3A_952 = arith.constant 7168 : index
    %swap3A_953 = arith.constant 64 : index
    %swap3A_954 = vector.load %arg3[%swap3A_952, %swap3A_953] : memref<8192x128xf32, #tpu.memory_space<vmem>>, vector<256x64xf32>
    tpu.vector_store %arg3[%swap3A_952, %swap3A_953], %bitcast_convert_type3A_951 {strides = array<i32>} : memref<8192x128xf32, #tpu.memory_space<vmem>>, vector<256x64xf32>,
    %slice3A_955 = vector.extract_strided_slice %convert_element_type3A {offsets = [0, 29696], sizes = [64, 1024], strides = [1, 1]} : vector<64x32768xbf16> to vector<64x1024xbf16>
    %dot_general3A_956 = arith.constant dense<0.000000e+00> : vector<1024x64xf32>
    %dot_general3A_957 = tpu.matmul %slice3A_955, %convert_element_type3A_5, %dot_general3A_956 {dimension_numbers = #tpu.dot_dimension_numbers<[0], [0], [1], [1], [0, 1, 1, 1], [], []>, transpose_lhs_hint = false} : vector<64x1024xbf16>, vector<64x64xbf16>, vector<1024x64xf32> -> vector<1024x64xf32>
    %bitcast_convert_type3A_958 = tpu.bitcast %dot_general3A_957 : vector<1024x64xf32> -> vector<1024x64xi32>
    %shift_right_arithmetic3A_959 = arith.constant 16 : i32
    %shift_right_arithmetic3A_960 = vector.broadcast %shift_right_arithmetic3A_959 : i32 to vector<1024x64xi32>
    %shift_right_arithmetic3A_961 = arith.shrsi %bitcast_convert_type3A_958, %shift_right_arithmetic3A_960 : vector<1024x64xi32>
    %slice3A_962 = vector.extract_strided_slice %shift_right_arithmetic3A_961 {offsets = [0, 0], sizes = [256, 64], strides = [1, 1]} : vector<1024x64xi32> to vector<256x64xi32>
    %and3A_963 = arith.constant 65535 : i32
    %and3A_964 = vector.broadcast %and3A_963 : i32 to vector<256x64xi32>
    %and3A_965 = arith.andi %slice3A_962, %and3A_964 : vector<256x64xi32>
    %slice3A_966 = vector.extract_strided_slice %shift_right_arithmetic3A_961 {offsets = [256, 0], sizes = [256, 64], strides = [1, 1]} : vector<1024x64xi32> to vector<256x64xi32>
    %shift_left3A_967 = arith.constant 16 : i32
    %shift_left3A_968 = vector.broadcast %shift_left3A_967 : i32 to vector<256x64xi32>
    %shift_left3A_969 = arith.shli %slice3A_966, %shift_left3A_968 : vector<256x64xi32>
    %or3A_970 = arith.ori %and3A_965, %shift_left3A_969 : vector<256x64xi32>
    %slice3A_971 = vector.extract_strided_slice %shift_right_arithmetic3A_961 {offsets = [512, 0], sizes = [256, 64], strides = [1, 1]} : vector<1024x64xi32> to vector<256x64xi32>
    %and3A_972 = arith.constant 65535 : i32
    %and3A_973 = vector.broadcast %and3A_972 : i32 to vector<256x64xi32>
    %and3A_974 = arith.andi %slice3A_971, %and3A_973 : vector<256x64xi32>
    %slice3A_975 = vector.extract_strided_slice %shift_right_arithmetic3A_961 {offsets = [768, 0], sizes = [256, 64], strides = [1, 1]} : vector<1024x64xi32> to vector<256x64xi32>
    %shift_left3A_976 = arith.constant 16 : i32
    %shift_left3A_977 = vector.broadcast %shift_left3A_976 : i32 to vector<256x64xi32>
    %shift_left3A_978 = arith.shli %slice3A_975, %shift_left3A_977 : vector<256x64xi32>
    %or3A_979 = arith.ori %and3A_974, %shift_left3A_978 : vector<256x64xi32>
    %bitcast_convert_type3A_980 = tpu.bitcast %or3A_970 : vector<256x64xi32> -> vector<256x64xf32>
    %swap3A_981 = arith.constant 7424 : index
    %swap3A_982 = arith.constant 0 : index
    %swap3A_983 = vector.load %arg3[%swap3A_981, %swap3A_982] : memref<8192x128xf32, #tpu.memory_space<vmem>>, vector<256x64xf32>
    tpu.vector_store %arg3[%swap3A_981, %swap3A_982], %bitcast_convert_type3A_980 {strides = array<i32>} : memref<8192x128xf32, #tpu.memory_space<vmem>>, vector<256x64xf32>,
    %bitcast_convert_type3A_984 = tpu.bitcast %or3A_979 : vector<256x64xi32> -> vector<256x64xf32>
    %swap3A_985 = arith.constant 7424 : index
    %swap3A_986 = arith.constant 64 : index
    %swap3A_987 = vector.load %arg3[%swap3A_985, %swap3A_986] : memref<8192x128xf32, #tpu.memory_space<vmem>>, vector<256x64xf32>
    tpu.vector_store %arg3[%swap3A_985, %swap3A_986], %bitcast_convert_type3A_984 {strides = array<i32>} : memref<8192x128xf32, #tpu.memory_space<vmem>>, vector<256x64xf32>,
    %slice3A_988 = vector.extract_strided_slice %convert_element_type3A {offsets = [0, 30720], sizes = [64, 1024], strides = [1, 1]} : vector<64x32768xbf16> to vector<64x1024xbf16>
    %dot_general3A_989 = arith.constant dense<0.000000e+00> : vector<1024x64xf32>
    %dot_general3A_990 = tpu.matmul %slice3A_988, %convert_element_type3A_5, %dot_general3A_989 {dimension_numbers = #tpu.dot_dimension_numbers<[0], [0], [1], [1], [0, 1, 1, 1], [], []>, transpose_lhs_hint = false} : vector<64x1024xbf16>, vector<64x64xbf16>, vector<1024x64xf32> -> vector<1024x64xf32>
    %bitcast_convert_type3A_991 = tpu.bitcast %dot_general3A_990 : vector<1024x64xf32> -> vector<1024x64xi32>
    %shift_right_arithmetic3A_992 = arith.constant 16 : i32
    %shift_right_arithmetic3A_993 = vector.broadcast %shift_right_arithmetic3A_992 : i32 to vector<1024x64xi32>
    %shift_right_arithmetic3A_994 = arith.shrsi %bitcast_convert_type3A_991, %shift_right_arithmetic3A_993 : vector<1024x64xi32>
    %slice3A_995 = vector.extract_strided_slice %shift_right_arithmetic3A_994 {offsets = [0, 0], sizes = [256, 64], strides = [1, 1]} : vector<1024x64xi32> to vector<256x64xi32>
    %and3A_996 = arith.constant 65535 : i32
    %and3A_997 = vector.broadcast %and3A_996 : i32 to vector<256x64xi32>
    %and3A_998 = arith.andi %slice3A_995, %and3A_997 : vector<256x64xi32>
    %slice3A_999 = vector.extract_strided_slice %shift_right_arithmetic3A_994 {offsets = [256, 0], sizes = [256, 64], strides = [1, 1]} : vector<1024x64xi32> to vector<256x64xi32>
    %shift_left3A_1000 = arith.constant 16 : i32
    %shift_left3A_1001 = vector.broadcast %shift_left3A_1000 : i32 to vector<256x64xi32>
    %shift_left3A_1002 = arith.shli %slice3A_999, %shift_left3A_1001 : vector<256x64xi32>
    %or3A_1003 = arith.ori %and3A_998, %shift_left3A_1002 : vector<256x64xi32>
    %slice3A_1004 = vector.extract_strided_slice %shift_right_arithmetic3A_994 {offsets = [512, 0], sizes = [256, 64], strides = [1, 1]} : vector<1024x64xi32> to vector<256x64xi32>
    %and3A_1005 = arith.constant 65535 : i32
    %and3A_1006 = vector.broadcast %and3A_1005 : i32 to vector<256x64xi32>
    %and3A_1007 = arith.andi %slice3A_1004, %and3A_1006 : vector<256x64xi32>
    %slice3A_1008 = vector.extract_strided_slice %shift_right_arithmetic3A_994 {offsets = [768, 0], sizes = [256, 64], strides = [1, 1]} : vector<1024x64xi32> to vector<256x64xi32>
    %shift_left3A_1009 = arith.constant 16 : i32
    %shift_left3A_1010 = vector.broadcast %shift_left3A_1009 : i32 to vector<256x64xi32>
    %shift_left3A_1011 = arith.shli %slice3A_1008, %shift_left3A_1010 : vector<256x64xi32>
    %or3A_1012 = arith.ori %and3A_1007, %shift_left3A_1011 : vector<256x64xi32>
    %bitcast_convert_type3A_1013 = tpu.bitcast %or3A_1003 : vector<256x64xi32> -> vector<256x64xf32>
    %swap3A_1014 = arith.constant 7680 : index
    %swap3A_1015 = arith.constant 0 : index
    %swap3A_1016 = vector.load %arg3[%swap3A_1014, %swap3A_1015] : memref<8192x128xf32, #tpu.memory_space<vmem>>, vector<256x64xf32>
    tpu.vector_store %arg3[%swap3A_1014, %swap3A_1015], %bitcast_convert_type3A_1013 {strides = array<i32>} : memref<8192x128xf32, #tpu.memory_space<vmem>>, vector<256x64xf32>,
    %bitcast_convert_type3A_1017 = tpu.bitcast %or3A_1012 : vector<256x64xi32> -> vector<256x64xf32>
    %swap3A_1018 = arith.constant 7680 : index
    %swap3A_1019 = arith.constant 64 : index
    %swap3A_1020 = vector.load %arg3[%swap3A_1018, %swap3A_1019] : memref<8192x128xf32, #tpu.memory_space<vmem>>, vector<256x64xf32>
    tpu.vector_store %arg3[%swap3A_1018, %swap3A_1019], %bitcast_convert_type3A_1017 {strides = array<i32>} : memref<8192x128xf32, #tpu.memory_space<vmem>>, vector<256x64xf32>,
    %slice3A_1021 = vector.extract_strided_slice %convert_element_type3A {offsets = [0, 31744], sizes = [64, 1024], strides = [1, 1]} : vector<64x32768xbf16> to vector<64x1024xbf16>
    %dot_general3A_1022 = arith.constant dense<0.000000e+00> : vector<1024x64xf32>
    %dot_general3A_1023 = tpu.matmul %slice3A_1021, %convert_element_type3A_5, %dot_general3A_1022 {dimension_numbers = #tpu.dot_dimension_numbers<[0], [0], [1], [1], [0, 1, 1, 1], [], []>, transpose_lhs_hint = false} : vector<64x1024xbf16>, vector<64x64xbf16>, vector<1024x64xf32> -> vector<1024x64xf32>
    %bitcast_convert_type3A_1024 = tpu.bitcast %dot_general3A_1023 : vector<1024x64xf32> -> vector<1024x64xi32>
    %shift_right_arithmetic3A_1025 = arith.constant 16 : i32
    %shift_right_arithmetic3A_1026 = vector.broadcast %shift_right_arithmetic3A_1025 : i32 to vector<1024x64xi32>
    %shift_right_arithmetic3A_1027 = arith.shrsi %bitcast_convert_type3A_1024, %shift_right_arithmetic3A_1026 : vector<1024x64xi32>
    %slice3A_1028 = vector.extract_strided_slice %shift_right_arithmetic3A_1027 {offsets = [0, 0], sizes = [256, 64], strides = [1, 1]} : vector<1024x64xi32> to vector<256x64xi32>
    %and3A_1029 = arith.constant 65535 : i32
    %and3A_1030 = vector.broadcast %and3A_1029 : i32 to vector<256x64xi32>
    %and3A_1031 = arith.andi %slice3A_1028, %and3A_1030 : vector<256x64xi32>
    %slice3A_1032 = vector.extract_strided_slice %shift_right_arithmetic3A_1027 {offsets = [256, 0], sizes = [256, 64], strides = [1, 1]} : vector<1024x64xi32> to vector<256x64xi32>
    %shift_left3A_1033 = arith.constant 16 : i32
    %shift_left3A_1034 = vector.broadcast %shift_left3A_1033 : i32 to vector<256x64xi32>
    %shift_left3A_1035 = arith.shli %slice3A_1032, %shift_left3A_1034 : vector<256x64xi32>
    %or3A_1036 = arith.ori %and3A_1031, %shift_left3A_1035 : vector<256x64xi32>
    %slice3A_1037 = vector.extract_strided_slice %shift_right_arithmetic3A_1027 {offsets = [512, 0], sizes = [256, 64], strides = [1, 1]} : vector<1024x64xi32> to vector<256x64xi32>
    %and3A_1038 = arith.constant 65535 : i32
    %and3A_1039 = vector.broadcast %and3A_1038 : i32 to vector<256x64xi32>
    %and3A_1040 = arith.andi %slice3A_1037, %and3A_1039 : vector<256x64xi32>
    %slice3A_1041 = vector.extract_strided_slice %shift_right_arithmetic3A_1027 {offsets = [768, 0], sizes = [256, 64], strides = [1, 1]} : vector<1024x64xi32> to vector<256x64xi32>
    %shift_left3A_1042 = arith.constant 16 : i32
    %shift_left3A_1043 = vector.broadcast %shift_left3A_1042 : i32 to vector<256x64xi32>
    %shift_left3A_1044 = arith.shli %slice3A_1041, %shift_left3A_1043 : vector<256x64xi32>
    %or3A_1045 = arith.ori %and3A_1040, %shift_left3A_1044 : vector<256x64xi32>
    %bitcast_convert_type3A_1046 = tpu.bitcast %or3A_1036 : vector<256x64xi32> -> vector<256x64xf32>
    %swap3A_1047 = arith.constant 7936 : index
    %swap3A_1048 = arith.constant 0 : index
    %swap3A_1049 = vector.load %arg3[%swap3A_1047, %swap3A_1048] : memref<8192x128xf32, #tpu.memory_space<vmem>>, vector<256x64xf32>
    tpu.vector_store %arg3[%swap3A_1047, %swap3A_1048], %bitcast_convert_type3A_1046 {strides = array<i32>} : memref<8192x128xf32, #tpu.memory_space<vmem>>, vector<256x64xf32>,
    %bitcast_convert_type3A_1050 = tpu.bitcast %or3A_1045 : vector<256x64xi32> -> vector<256x64xf32>
    %swap3A_1051 = arith.constant 7936 : index
    %swap3A_1052 = arith.constant 64 : index
    %swap3A_1053 = vector.load %arg3[%swap3A_1051, %swap3A_1052] : memref<8192x128xf32, #tpu.memory_space<vmem>>, vector<256x64xf32>
    tpu.vector_store %arg3[%swap3A_1051, %swap3A_1052], %bitcast_convert_type3A_1050 {strides = array<i32>} : memref<8192x128xf32, #tpu.memory_space<vmem>>, vector<256x64xf32>,
    return
  }
  func.func @transform_0(%arg0: i32) -> (i32, i32) {
    %c0_i32 = arith.constant 0 : i32
    %c0_i32_0 = arith.constant 0 : i32
    return %c0_i32, %arg0 : i32, i32
  }
  func.func @transform_1(%arg0: i32) -> (i32, i32) {
    %c0_i32 = arith.constant 0 : i32
    %c0_i32_0 = arith.constant 0 : i32
    %c0_i32_1 = arith.constant 0 : i32
    return %c0_i32, %c0_i32_0 : i32, i32
  }
  func.func @transform_2(%arg0: i32) -> (i32, i32) {
    %c0_i32 = arith.constant 0 : i32
    %c0_i32_0 = arith.constant 0 : i32
    return %arg0, %c0_i32 : i32, i32
  }
}

</mosaic_0001>

<sc_bundles>
// kernel: kernel.5.cloned.1.call-start
scs
__scs_entry_jumppad:
0x0: {  	(pc) =	sbr.rel $0x88, $3  }
0x1: {  	(tag) =	ssettag $0x0;
	lr =	simm.s32 $0x1  }
0x2: {  	[smem:$0x3F9D] =	sst lr;
	_ =	strace $0xD0000000  }
0x3: {  	_ = 	snop  }
0x4: {  	_ = 	snop  }
0x5: {  	_ = 	snop  }
0x6: {  	_ = 	snop  }
0x7: {  	_ = 	snop  }
__scs_overlays_trampoline_lowered:
0x8: {  	[smem:$0x3FAC] =	sst s0  }
0x9: {  	[smem:$0x3FAD] =	sst s1  }
0xa: {  	[smem:$0x3FAE] =	sst s2  }
0xb: {  	[smem:$0x3FAF] =	sst s3  }
0xc: {  	[smem:$0x3FB0] =	sst s4  }
0xd: {  	[smem:$0x3FB1] =	sst s5  }
0xe: {  	[smem:$0x3FB2] =	sst s6  }
0xf: {  	[smem:$0x3FB3] =	sst s7  }
0x10: {  	[smem:$0x3FB4] =	sst s8  }
0x11: {  	[smem:$0x3FB5] =	sst s9;
	s0 =	simm.s32 @!p0 $0x0  }
0x12: {  	s1 =	sld [smem:$0x3F9B];
	s0 =	simm.s32 @p0 $0x1  }
0x13: {  	[smem:$0x3FB6] =	sst s0;
	s0 =	simm.s32 @!p1 $0x0  }
0x14: {  	s2 =	sld [smem:$0x3F9A];
	s0 =	simm.s32 @p1 $0x1  }
0x15: {  	[smem:$0x3FB7] =	sst s0;
	s0 =	simm.s32 @!p2 $0x0  }
0x16: {  	s3 =	sld [smem:$0x3FDB];
	s0 =	simm.s32 @p2 $0x1  }
0x17: {  	s4 =	simm.s32 $0x1BF5;
	[smem:$0x3FB9] =	sst s0  }
0x18: {  	s0 =	sld [smem:$0x3F9C];
	_ =	swait.ge [sflag:s4], $0x0  }
0x19: {  	s7 =	sld [smem:$0x3F9D]  }
0x1a: {  	s8 =	sadd.s32 $0xFFFFE003, lr  }
0x1b: {  	s9 =	sadd.s32 $0xFFFFFEF7, lr;
	s5 =	simm.s32 $0xFFFFFFFF;
	p2 =	slt.u32 s8, $0xFFFFF086  }
0x1c: {  	p1 =	slt.u32 s9, $0xF7A;
	s5 =	simm.s32 @!p2 $0x0  }
0x1d: {  	s5 =	simm.s32 @p1 $0x1;
	p0 =	seq.s32 s7, s2  }
0x1e: {  	s7 =	smul.u32 @!p0 $0xF7A, s2;
	p2 =	seq.s32 @!p0 s5, $0x0  }
0x1f: {  	s9 =	smul.u32 $0xF7A, s1;
	s8 =	simm.s32 @!p0 $0x1BF5;
	p2 =	por !p2, p0  }
0x20: {  	[sflag:s8] =	ssyncset.s32 @!p0 $0xFFFFF086;
	s6 =	sadd.s32 @!p0 s3, s7;
	s7 =	simm.s32 @!p0 $0x108  }
0x21: {  	s3 =	sadd.s32 s3, s9;
	s6 =	sadd.s32 @!p0 $0x88, s6;
	s7 =	simm.s32 @p2 $0x1082  }
0x22: {  	[simem:s7], [sflag:s8] =	dma.local @!p0 [hbm:s6], $0xF7A  }
0x23: {  	s9 =	sor.u32 $0xD0000000, s2;
	s6 =	simm.s32 $0x108;
	_ =	swait.ge @!p0 [sflag:s8], $0x0  }
0x24: {  	s3 =	sadd.s32 $0x88, s3;
	s6 =	simm.s32 @!p1 $0x1082;
	[sflag:s4] =	ssyncset.s32 $0xFFFFF086  }
0x25: {  	[simem:s6], [sflag:s4] =	dma.local [hbm:s3], $0xF7A  }
0x26: {  	[smem:$0x3F9D] =	sst s1;
	(tag) =	ssettag s2;
	_ =	strace s9  }
0x27: {  	s1 =	sld [smem:$0x3FAD]  }
0x28: {  	s2 =	sld [smem:$0x3FAE]  }
0x29: {  	s4 =	sld [smem:$0x3FB0]  }
0x2a: {  	p0 =	seq.s32 s5, $0x0;
	s5 =	sld [smem:$0x3FB1]  }
0x2b: {  	s6 =	sld [smem:$0x3FB2]  }
0x2c: {  	s7 =	sld [smem:$0x3FB3]  }
0x2d: {  	s3 =	simm.s32 $0x108;
	s8 =	sld [smem:$0x3FB4]  }
0x2e: {  	s3 =	simm.s32 @!p0 $0x1082;
	s9 =	sld [smem:$0x3FB5]  }
0x2f: {  	lr =	sadd.s32 s0, s3;
	s0 =	sld [smem:$0x3FAC]  }
0x30: {  	s3 =	sld [smem:$0x3FAF]  }
0x31: {  	[smem:$0x3FB8] =	sst s10  }
0x32: {  	s10 =	sld [smem:$0x3FB6];
	_ =	sdelay $0x3  }
0x33: {  	p0 =	seq.s32 s10, $0x1;
	s10 =	sld [smem:$0x3FB8];
	_ =	sdelay $0x3  }
0x34: {  	[smem:$0x3FB8] =	sst s10  }
0x35: {  	s10 =	sld [smem:$0x3FB7];
	_ =	sdelay $0x3  }
0x36: {  	p1 =	seq.s32 s10, $0x1;
	s10 =	sld [smem:$0x3FB8];
	_ =	sdelay $0x3  }
0x37: {  	[smem:$0x3FB8] =	sst s10  }
0x38: {  	s10 =	sld [smem:$0x3FB9]  }
0x39: {  	_ = 	snop;
	(pc) =	sbr.ind lr, $3  }
0x3a: {  	_ = 	snop  }
0x3b: {  	_ = 	snop  }
0x3c: {  	p2 =	seq.s32 s10, $0x1;
	s10 =	sld [smem:$0x3FB8]  }
0x3d: {  	_ =	shalt  }
0x3e: {  	_ =	shalt  }
0x3f: {  	_ =	shalt  }
0x40: {  	_ =	shalt  }
0x41: {  	_ =	shalt  }
0x42: {  	_ =	shalt  }
0x43: {  	_ =	shalt  }
0x44: {  	_ =	shalt  }
0x45: {  	_ =	shalt  }
0x46: {  	_ =	shalt  }
0x47: {  	_ =	shalt  }
0x48: {  	_ =	shalt  }
0x49: {  	_ =	shalt  }
0x4a: {  	_ =	shalt  }
0x4b: {  	_ =	shalt  }
0x4c: {  	_ =	shalt  }
0x4d: {  	_ =	shalt  }
0x4e: {  	_ =	shalt  }
0x4f: {  	_ =	shalt  }
0x50: {  	_ =	shalt  }
0x51: {  	_ =	shalt  }
0x52: {  	_ =	shalt  }
0x53: {  	_ =	shalt  }
0x54: {  	_ =	shalt  }
0x55: {  	_ =	shalt  }
0x56: {  	_ =	shalt  }
0x57: {  	_ =	shalt  }
0x58: {  	_ =	shalt  }
0x59: {  	_ =	shalt  }
0x5a: {  	_ =	shalt  }
0x5b: {  	_ =	shalt  }
0x5c: {  	_ =	shalt  }
0x5d: {  	_ =	shalt  }
0x5e: {  	_ =	shalt  }
0x5f: {  	_ =	shalt  }
0x60: {  	_ =	shalt  }
0x61: {  	_ =	shalt  }
0x62: {  	_ =	shalt  }
0x63: {  	_ =	shalt  }
0x64: {  	_ =	shalt  }
0x65: {  	_ =	shalt  }
0x66: {  	_ =	shalt  }
0x67: {  	_ =	shalt  }
0x68: {  	_ =	shalt  }
0x69: {  	_ =	shalt  }
0x6a: {  	_ =	shalt  }
0x6b: {  	_ =	shalt  }
0x6c: {  	_ =	shalt  }
0x6d: {  	_ =	shalt  }
0x6e: {  	_ =	shalt  }
0x6f: {  	_ =	shalt  }
0x70: {  	_ =	shalt  }
0x71: {  	_ =	shalt  }
0x72: {  	_ =	shalt  }
0x73: {  	_ =	shalt  }
0x74: {  	_ =	shalt  }
0x75: {  	_ =	shalt  }
0x76: {  	_ =	shalt  }
0x77: {  	_ =	shalt  }
0x78: {  	_ =	shalt  }
0x79: {  	_ =	shalt  }
0x7a: {  	_ =	shalt  }
0x7b: {  	_ =	shalt  }
0x7c: {  	_ =	shalt  }
0x7d: {  	_ =	shalt  }
0x7e: {  	_ =	shalt  }
0x7f: {  	_ =	shalt  }
0x80: {  	_ =	shalt  }
0x81: {  	_ =	shalt  }
0x82: {  	_ =	shalt  }
0x83: {  	_ =	shalt  }
0x84: {  	_ =	shalt  }
0x85: {  	_ =	shalt  }
0x86: {  	_ =	shalt  }
0x87: {  	_ =	shalt  }
.Lfunc_end0:
.L_simem_size_0:
called_computation_lowered:
.L_overlay_start_0:
0x88: {  	s2 =	sld [smem:$0x3FD9]  }
0x89: {  	s3 =	sld [smem:$0x3FFE];
	_ =	sdelay $0x1  }
0x8a: {  	s1 =	srdreg.scid  }
0x8b: {  	s0 =	sand.u32 $0x1, s1  }
0x8c: {  	s17 =	sshll.u32 s0, $0xA;
	s2 =	sadd.s32 s3, s2  }
0x8d: {  	s2 =	sadd.s32 s2, s17  }
0x8e: {  	[smem:$0x3FC4] =	sst s2  }
0x8f: {  	_ = 	snop  }
0x90: {  	s2 =	sld [smem:$0x3FD0];
	(tm) =	ssettm $0x1  }
0x91: {  	s18 =	sld [smem:$0x3FFB];
	_ =	sdelay $0x3  }
0x92: {  	_ =	strace s18  }
0x93: {  	s3 =	sld [smem:$0x3FFC];
	_ =	sdelay $0x3  }
0x94: {  	_ =	strace s3  }
0x95: {  	s3 =	sld [smem:$0x3FFD];
	_ =	sdelay $0x3  }
0x96: {  	_ =	strace s3  }
0x97: {  	_ =	strace $0x8FFFFFFF  }
0x98: {  	s19 =	sld [smem:$0x3FDB];
	_ =	sdelay $0x1  }
0x99: {  	s4 =	simm.s32 $_scs_section_size  }
0x9a: {  	s5 =	simm.s32 $_size__tile_overlayer_lowered;
	s6 =	simm.s32 $_tile_overlayer_lowered  }
0x9b: {  	s22 =	simm.s32 $0x1BFF;
	s21 =	sshll.u32 s6, $0x1;
	s3 =	sadd.s32 s4, s19  }
0x9c: {  	s7 =	simm.s32 $0x0;
	s20 =	sshll.u32 s5, $0x1;
	s5 =	sadd.s32 s21, s3  }
0x9d: {  	[timem:s7], [sflag:s22] =	dma.local [hbm:s5], s20  }
0x9e: {  	_ =	swait.ge [sflag:s22], s20  }
0x9f: {  	s4 =	ssub.s32 $0x0, s20;
	[sflag:s22] =	ssyncset.done $0x0  }
0xa0: {  	[sflag:s22] =	ssyncadd.s32 s4;
	_ =	sdelay $0x1  }
0xa1: {  	s23 =	simm.s32 $0x1B8B  }
0xa2: {  	_ =	swait.ge [sflag:s23], $0x1  }
0xa3: {  	[sflag:s23] =	ssyncset.done $0x0  }
0xa4: {  	s25 =	simm.s32 $0x1B8E;
	s24 =	sld [smem:$0x3FFE];
	[sflag:s23] =	ssyncadd.s32 $0xFFFFFFFF  }
0xa5: {  	s26 =	simm.s32 $execute0_lowered;
	[smem:$0x3FD2] =	sst s25  }
0xa6: {  	s5 =	sshll.u32 s26, $0x1;
	_ =	strace $0x80000046;
	[dreg:$0x1] =	wrdreg $0xFFFFFFFF  }
0xa7: {  	s28 =	simm.s32 $_size_execute0_lowered;
	s3 =	sadd.s32 s3, s5;
	[dreg:$0x0] =	wrdreg $0x0  }
0xa8: {  	s5 =	sshll.u32 s28, $0x1;
	[dreg:$0x2] =	wrdreg s3  }
0xa9: {  	[dreg:$0x3] =	wrdreg s5  }
0xaa: {  	[dreg:$0x4] =	wrdreg $0xC0  }
0xab: {  	_ =	task [dreg:s7], $0x5FFFF  }
0xac: {  	[dreg:$0x1] =	wrdreg $0xFFFFFFFF  }
0xad: {  	[dreg:$0x0] =	wrdreg $0x60  }
0xae: {  	[dreg:$0x2] =	wrdreg s24  }
0xaf: {  	[dreg:$0x3] =	wrdreg s2  }
0xb0: {  	[dreg:$0x4] =	wrdreg $0x9  }
0xb1: {  	_ =	task.clear_ibuf [dreg:s7], $0x5FFFF;
	_ =	strace $0x90000046  }
0xb2: {  	s29 =	simm.s32 $0x9;
	_ =	strace $0x80000048  }
0xb3: {  	_ =	swait.ge [sflag:s29], $0x1  }
0xb4: {  	[sflag:s29] =	ssyncadd.s32 $0xFFFFFFFF  }
0xb5: {  	_ =	strace $0x90000048  }
0xb6: {  	_ =	sfence  }
0xb7: {  	s30 =	sld [smem:$0x0];
	_ =	sdelay $0x2  }
0xb8: {  	s31 =	sshll.u32 s1, $0xD;
	s1 =	sshrl.u32 s1, $0x2  }
0xb9: {  	s3 =	sand.u32 $0x4000, s31;
	s1 =	sadd.s32 s1, s30  }
0xba: {  	s0 =	sor.u32 s3, s0;
	s1 =	sshll.u32 s1, $0x11  }
0xbb: {  	s0 =	sor.u32 s1, s0  }
0xbc: {  	s0 =	sadd.s32 $0x8F2B, s0  }
0xbd: {  	[sflag:s0] =	ssyncadd.remote.s32 $0x1  }
0xbe: {  	_ =	sfence.sel $0xFFFF  }
0xbf: {  	[dreg:$0x0] =	wrdreg $0xFFFFFFFF;
	(pc) =	sbr.abs _section_cstart, $3  }
0xc0: {  	[dreg:$0x1] =	wrdreg $0xFFFFFFFF  }
0xc1: {  	_ =	task.clear_ibuf [dreg:s7], $0x2FFFF;
	_ =	strace $0x9FFFFFFF  }
0xc2: {  	(tm) =	ssettm $0x7FFFFFFF  }
0xc3: {  	_ =	shalt  }
tec
execute0_lowered:
.L_overlay_start_1:
0x0: {  	(tag) =	ssettag $0x1  }
0x1: {  	s5 =	rddreg [dreg:$0x0];
	s0 =	srdreg.scid  }
0x2: {  	s14 =	rddreg [dreg:$0x1];
	s15 =	sand.u32 $0x1, s0  }
0x3: {  	s1 =	stileid.u32;
	s2 =	simm.s32 $0x0;
	s3 =	sshll.u32 s15, $0x6  }
0x4: {  	s0 =	rddreg [dreg:$0x2];
	s4 =	sshll.u32 s1, $0x7;
	s3 =	sadd.s32 s3, s5  }
0x5: {  	[smem:$0x7FF] =	sst s2;
	s3 =	sadd.s32 s4, s3  }
0x6: {  	_ =	strace $0x80000047;
	s4 =	sadd.s32 $0xE00, s3;
	s3 =	simm.s32 $0x2  }
0x7: {  	[tilespmem:s2], [sflag:$0x2] =	stream.linear.gather [hbm4b:s4+s2], $0x200, $0x38;
	[tilespmem:$0x10200] =	vst v63  }
0x8: {  	_ =	swait.ge [sflag:s3], $0x200  }
0x9: {  	s6 =	simm.s32 $0x80;
	[sflag:s3] =	ssyncset.done $0x0  }
0xa: {  	s7 =	simm.s32 $0x200;
	s5 =	sadd.s32 $0x1800, s5;
	[sflag:s3] =	ssyncadd.s32 $0xFFFFFE00  }
0xb: {  	[tilespmem:s7], [sflag:$0x1] =	stream.indirect.gather [hbm4b:s5+s6], $0x80, s2, s6, $0xb8;
	[tilespmem:$0x10200] =	vst v63  }
0xc: {  	s8 =	simm.s32 $0x4200  }
0xd: {  	[tilespmem:s8], [sflag:$0x1] =	stream.indirect.gather [hbm4b:s5+s6], $0x80, s6, s6, $0xb8;
	[tilespmem:$0x10200] =	vst v63  }
0xe: {  	s9 =	simm.s32 $0x100;
	s10 =	simm.s32 $0x8200  }
0xf: {  	[tilespmem:s10], [sflag:$0x1] =	stream.indirect.gather [hbm4b:s5+s6], $0x80, s9, s6, $0xb8;
	[tilespmem:$0x10200] =	vst v63  }
0x10: {  	s11 =	simm.s32 $0x180;
	s12 =	simm.s32 $0xC200;
	s13 =	simm.s32 $0x1  }
0x11: {  	[tilespmem:s12], [sflag:$0x1] =	stream.indirect.gather [hbm4b:s5+s6], $0x80, s11, s6, $0xb8;
	[tilespmem:$0x10200] =	vst v63  }
0x12: {  	_ =	swait.ge [sflag:s13], $0x4000  }
0x13: {  	[sflag:s13] =	ssyncset.done $0x0  }
0x14: {  	[sflag:s13] =	ssyncadd.s32 $0xFFFFC000  }
0x15: {  	_ =	swait.ge [sflag:s13], $0x4000  }
0x16: {  	[sflag:s13] =	ssyncset.done $0x0  }
0x17: {  	s16 =	ssub.s32 $0x2, s15;
	[sflag:s13] =	ssyncadd.s32 $0xFFFFC000  }
0x18: {  	s17 =	sshrl.u32 s16, $0x1;
	_ =	swait.ge [sflag:s13], $0x4000  }
0x19: {  	s16 =	ssub.s32 s16, s17;
	[sflag:s13] =	ssyncset.done $0x0  }
0x1a: {  	s30 =	sshll.u32 s1, $0xE;
	s31 =	smax.u32 s16, $0x1;
	[sflag:s13] =	ssyncadd.s32 $0xFFFFC000  }
0x1b: {  	s15 =	sshll.u32 s15, $0xD;
	p0 =	sne.s32 s31, $0x1;
	_ =	swait.ge [sflag:s13], $0x4000  }
.Ltmp0:
0x1c: {  	s14 =	sadd.s32 s14, s15;
	[sflag:s13] =	ssyncset.done $0x0;
	(pc) =	sbr.rel @!p0 .LBB2_2-.Ltmp0, $4  }
0x1d: {  	s14 =	sadd.s32 s30, s14;
	[sflag:s13] =	ssyncadd.s32 $0xFFFFC000  }
0x1e: {  	[hbm4b:s14+s2] =	stream.linear.scatter [tilespmem:s7], [sflag:$0x2], $0x10000, $0x38;
	[tilespmem:$0x10200] =	vst v63  }
0x1f: {  	_ =	swait.ge [sflag:s3], $0x10000  }
0x20: {  	s15 =	sadd.s32 $0xFFFFFFFF, s31;
	[sflag:s3] =	ssyncset.done $0x0  }
.LBB2_1:
0x21: {  	p0 =	sne.s32 s15, $0x1;
	s15 =	sadd.s32 $0xFFFFFFFF, s15;
	[sflag:s3] =	ssyncadd.s32 $0xFFFF0000  }
0x22: {  	[tilespmem:s2], [sflag:$0x2] =	stream.linear.gather [hbm4b:s4+s2], $0x200, $0x38;
	[tilespmem:$0x10200] =	vst v63  }
0x23: {  	_ =	swait.ge [sflag:s3], $0x200  }
0x24: {  	[sflag:s3] =	ssyncset.done $0x0  }
0x25: {  	[sflag:s3] =	ssyncadd.s32 $0xFFFFFE00  }
0x26: {  	[tilespmem:s7], [sflag:$0x1] =	stream.indirect.gather [hbm4b:s5+s6], $0x80, s2, s6, $0xb8;
	[tilespmem:$0x10200] =	vst v63  }
0x27: {  	_ = 	snop  }
0x28: {  	[tilespmem:s8], [sflag:$0x1] =	stream.indirect.gather [hbm4b:s5+s6], $0x80, s6, s6, $0xb8;
	[tilespmem:$0x10200] =	vst v63  }
0x29: {  	_ = 	snop  }
0x2a: {  	[tilespmem:s10], [sflag:$0x1] =	stream.indirect.gather [hbm4b:s5+s6], $0x80, s9, s6, $0xb8;
	[tilespmem:$0x10200] =	vst v63  }
0x2b: {  	_ = 	snop  }
0x2c: {  	[tilespmem:s12], [sflag:$0x1] =	stream.indirect.gather [hbm4b:s5+s6], $0x80, s11, s6, $0xb8;
	[tilespmem:$0x10200] =	vst v63  }
0x2d: {  	_ =	swait.ge [sflag:s13], $0x4000  }
0x2e: {  	[sflag:s13] =	ssyncset.done $0x0  }
0x2f: {  	[sflag:s13] =	ssyncadd.s32 $0xFFFFC000  }
0x30: {  	_ =	swait.ge [sflag:s13], $0x4000  }
0x31: {  	[sflag:s13] =	ssyncset.done $0x0  }
0x32: {  	[sflag:s13] =	ssyncadd.s32 $0xFFFFC000  }
0x33: {  	_ =	swait.ge [sflag:s13], $0x4000  }
0x34: {  	[sflag:s13] =	ssyncset.done $0x0  }
0x35: {  	[sflag:s13] =	ssyncadd.s32 $0xFFFFC000  }
0x36: {  	_ =	swait.ge [sflag:s13], $0x4000  }
.Ltmp1:
0x37: {  	[sflag:s13] =	ssyncset.done $0x0;
	(pc) =	sbr.rel @p0 .LBB2_1-.Ltmp1, $4  }
0x38: {  	[sflag:s13] =	ssyncadd.s32 $0xFFFFC000  }
0x39: {  	[hbm4b:s14+s2] =	stream.linear.scatter [tilespmem:s7], [sflag:$0x2], $0x10000, $0x38;
	[tilespmem:$0x10200] =	vst v63  }
0x3a: {  	_ =	swait.ge [sflag:s3], $0x10000  }
0x3b: {  	[sflag:s3] =	ssyncset.done $0x0  }
.LBB2_2:
0x3c: {  	[sflag:s3] =	ssyncadd.s32 $0xFFFF0000  }
0x3d: {  	_ =	sfence.sel $0x180000  }
0x3e: {  	[bflag:$0x0] =	sbarrier.arrive $0xFFFF  }
0x3f: {  	p0 =	sne.s32 s1, $0x0;
	_ =	strace $0x90000047  }
0x40: {  	s0 =	sadd.s32 @!p0 $0x100000, s0;
	[bflag:$0x2] =	sbarrier.arrive $0xFFFF  }
0x41: {  	[sflag:s0] =	ssyncadd.tile.s32 @!p0 $0x1;
	_ =	shalt  }
.Lfunc_end2:
_tile_overlayer_lowered:
.L_overlay_start_2:
0x42: {  	(tag) =	ssettag $0x2  }
0x43: {  	s0 =	rddreg [dreg:$0x0];
	s2 =	stileid.u32  }
0x44: {  	s1 =	rddreg [dreg:$0x1];
	p0 =	sne.s32 s2, $0x0  }
0x45: {  	s3 =	rddreg [dreg:$0x2];
	[bflag:$0x3] =	sbarrier.arrive $0xFFFF;
	s2 =	simm.s32 @!p0 $0x1C02  }
0x46: {  	[timem:s3], [sflag:s2] =	dma.local @!p0 [hbm:s0], s1  }
0x47: {  	s0 =	simm.s32 @!p0 $0x2  }
0x48: {  	_ =	swait.ge @!p0 [sflag:s0], s1  }
0x49: {  	s1 =	ssub.s32 @!p0 $0x0, s1;
	[sflag:s0] =	ssyncset.done @!p0 $0x0  }
0x4a: {  	[sflag:s0] =	ssyncadd.s32 @!p0 s1  }
0x4b: {  	[bflag:$0x3] =	sbarrier.arrive $0xFFFF  }
0x4c: {  	_ =	shalt  }

</sc_bundles>
